<compile_context>
chip_gen: v7x
topology: tpu7x:2x2x1
jax: 0.10.2.dev20260603
libtpu: 0.0.44.dev20260713+nightly
codegen_flags: <defaults>
</compile_context>

<pallas_src>
import functools

import jax
import jax.numpy as jnp
from jax import lax
from jax.experimental import pallas as pl
from jax.experimental.pallas import tpu as pltpu
from jax.experimental.pallas import tpu_sc as plsc

_NE = 1024
_ED = 64
_BETA = 0.25
_B = 8
_HW = 64
_TOK = 4096
_NTOK = _B * _HW * _HW
_NBLK = _NTOK // _TOK
_NELEM = _NTOK * _ED
_NW = 32
_TPW = _NTOK // _NW


def _vq_body(z_ref, w_ref, zsq_ref, wsq_ref, idx_ref, loss_ref,
             perp_ref, hist_ref, sq_ref):
    step = pl.program_id(0)

    zt = jnp.transpose(z_ref[0].reshape(_ED, _TOK))
    w = w_ref[...]
    wsq = wsq_ref[0]
    zsq = zsq_ref[...]
    s2 = jax.lax.dot_general(zt, -2.0 * w, (((1,), (1,)), ((), ())),
                             preferred_element_type=jnp.float32)
    d = (zsq + wsq[None, :]) + s2
    fiota = jax.lax.broadcasted_iota(jnp.int32, (_TOK, _NE), 1).astype(jnp.float32)
    dmin = jnp.min(d, axis=1, keepdims=True)
    masked = jnp.where(d == dmin, fiota, jnp.float32(_NE))
    fidx = jnp.min(masked, axis=1, keepdims=True)
    idx = fidx[:, 0].astype(jnp.int32)
    idx_ref[0, 0, :] = idx

    oh = (masked == fidx).astype(jnp.float32)
    colsum = jnp.dot(jnp.ones((1, _TOK), jnp.float32), oh,
                     preferred_element_type=jnp.float32)[0]
    sqblk = jnp.sum(dmin)

    @pl.when(step == 0)
    def _init():
        hist_ref[0, :] = colsum
        sq_ref[0] = sqblk

    @pl.when(step > 0)
    def _acc():
        hist_ref[0, :] = hist_ref[0, :] + colsum
        sq_ref[0] = sq_ref[0] + sqblk

    @pl.when(step == _NBLK - 1)
    def _fin():
        loss = (1.0 + _BETA) * sq_ref[0] / float(_NELEM)
        loss_ref[...] = jnp.full((1, 1), loss, dtype=jnp.float32)
        e = hist_ref[0, :] / float(_NTOK)
        perp = jnp.exp(-jnp.sum(e * jnp.log(e + 1e-10)))
        perp_ref[...] = jnp.full((1, 1), perp, dtype=jnp.float32)


_SC_MESH = plsc.VectorSubcoreMesh(core_axis_name="c", subcore_axis_name="s")


_CH = 512


@functools.partial(
    pl.kernel,
    mesh=_SC_MESH,
    out_type=jax.ShapeDtypeStruct((_NTOK, 2 * _ED), jnp.float32),
    scratch_types=[
        pltpu.VMEM((_TPW,), jnp.int32),
        pltpu.VMEM((_CH, 2 * _ED), jnp.float32),
        pltpu.SemaphoreType.DMA,
    ],
)
def _gather_sc(idx_hbm, w_hbm, out_hbm, idx_v, rows_v, sem):
    wid = lax.axis_index("s") * 2 + lax.axis_index("c")
    base = wid * _TPW
    pltpu.sync_copy(idx_hbm.at[pl.ds(base, _TPW)], idx_v)
    for h in range(_TPW // _CH):
        pltpu.async_copy(w_hbm.at[idx_v.at[pl.ds(h * _CH, _CH)]],
                         rows_v, sem).wait()
        pltpu.sync_copy(rows_v, out_hbm.at[pl.ds(base + h * _CH, _CH)])


def _quantize_one(z, w):
    zsq = jnp.sum(jnp.transpose(z, (0, 2, 3, 1)).reshape(_NTOK, _ED) ** 2,
                  axis=1, keepdims=True)
    wsq = jnp.sum(w ** 2, axis=1).reshape(1, _NE)
    out = pl.pallas_call(
        _vq_body,
        grid=(_NBLK,),
        in_specs=[
            pl.BlockSpec((1, _ED, _HW, _HW), lambda i: (i, 0, 0, 0)),
            pl.BlockSpec((_NE, _ED), lambda i: (0, 0)),
            pl.BlockSpec((_TOK, 1), lambda i: (i, 0)),
            pl.BlockSpec((1, _NE), lambda i: (0, 0)),
        ],
        out_specs=[
            pl.BlockSpec((1, 1, _TOK), lambda i: (i, 0, 0)),
            pl.BlockSpec((1, 1), lambda i: (0, 0)),
            pl.BlockSpec((1, 1), lambda i: (0, 0)),
        ],
        out_shape=[
            jax.ShapeDtypeStruct((_NBLK, 1, _TOK), jnp.int32),
            jax.ShapeDtypeStruct((1, 1), jnp.float32),
            jax.ShapeDtypeStruct((1, 1), jnp.float32),
        ],
        scratch_shapes=[
            pltpu.VMEM((1, _NE), jnp.float32),
            pltpu.SMEM((1,), jnp.float32),
        ],
    )(z, w, zsq, wsq)
    idx, loss, perp = out
    idx = idx.reshape(_NTOK)
    wpad = jnp.concatenate([w, jnp.zeros((_NE, _ED), jnp.float32)], axis=1)
    zq_tok = _gather_sc(idx, wpad)[:, :_ED]
    zq = jnp.transpose(zq_tok.reshape(_B, _HW, _HW, _ED), (0, 3, 1, 2))
    return idx, zq, loss[0, 0], perp[0, 0]


def kernel(z0, z1, W_z, W):
    i0, zq0, l0, p0 = _quantize_one(z0, W_z)
    i1, zq1, l1, p1 = _quantize_one(z1, W)
    return (l0 + l1, zq0, zq1, (p0 + p1) / 2.0, i0, i1)

# --- scband reference (transcript-rebuilt; emitter-appended) ---
"""Pipeline reference for scband-vqppf-29429115912771 (READ-ONLY COPY).

The authoritative reference and input builder live on the scoring server;
editing this copy changes nothing except your own understanding.
"""

import jax, jax.numpy as jnp
import numpy as np

N_E = 1024
E_DIM = 64
BETA = 0.25


def setup_inputs(seed: int = 0) -> dict:
    key = jax.random.key(seed)
    k0, k1, k2, k3 = jax.random.split(key, 4)
    z0 = jax.random.normal(k0, (8, 64, 64, 64), dtype=jnp.float32)
    z1 = jax.random.normal(k1, (8, 64, 64, 64), dtype=jnp.float32)
    W_z = jax.random.uniform(k2, (N_E, E_DIM), minval=-1.0 / N_E, maxval=1.0 / N_E, dtype=jnp.float32)
    W = jax.random.uniform(k3, (N_E, E_DIM), minval=-1.0 / N_E, maxval=1.0 / N_E, dtype=jnp.float32)
    return {"z0": z0, "z1": z1, "W_z": W_z, "W": W}


def _quantize(z, weight):
    # z: [B, C=e_dim, H, W] -> NHWC, flatten to tokens
    z = jnp.transpose(z, (0, 2, 3, 1))
    zf = z.reshape(-1, E_DIM)
    # squared L2 distances to all codebook entries
    d = (jnp.sum(zf ** 2, axis=1, keepdims=True)
         + jnp.sum(weight ** 2, axis=1)
         - 2.0 * jnp.matmul(zf, weight.T))
    idx = jnp.argmin(d, axis=1)
    n = idx.shape[0]
    # one-hot via scatter-overwrite (matches torch scatter_)
    one_hot = jnp.zeros((n, N_E), dtype=zf.dtype).at[jnp.arange(n), idx].set(1.0)
    z_q = jnp.matmul(one_hot, weight).reshape(z.shape)
    loss = (jnp.mean((jax.lax.stop_gradient(z_q) - z) ** 2)
            + BETA * jnp.mean((z_q - jax.lax.stop_gradient(z)) ** 2))
    # straight-through estimator
    z_q = z + jax.lax.stop_gradient(z_q - z)
    e_mean = jnp.mean(one_hot, axis=0)
    perplexity = jnp.exp(-jnp.sum(e_mean * jnp.log(e_mean + 1e-10)))
    z_q = jnp.transpose(z_q, (0, 3, 1, 2))
    return loss, z_q, perplexity, idx


def reference(z0, z1, W_z, W):
    # i == 0 uses embedding_z (W_z); i > 0 uses embedding (W)
    loss0, zq0, p0, i0 = _quantize(z0, W_z)
    loss1, zq1, p1, i1 = _quantize(z1, W)
    total_loss = loss0 + loss1
    total_perplexity = (p0 + p1) / 2.0
    return (total_loss, zq0, zq1, total_perplexity, i0, i1)

if __name__ == "__main__":
    import jax
    _d = setup_inputs()
    print(jax.jit(kernel)(*tuple(_d.values())))

</pallas_src>

<mosaic_0001>
#map = affine_map<(d0, d1) -> (0)>
#map1 = affine_map<(d0, d1) -> (0, 0)>
module attributes {stable_mosaic.version = 14 : i64} {
  func.func @_gather_sc(%arg0: i32, %arg1: i32, %arg2: memref<32768xi32, #tpu.memory_space<hbm>>, %arg3: memref<1024x128xf32, #tpu.memory_space<hbm>>, %arg4: memref<32768x128xf32, #tpu.memory_space<hbm>>, %arg5: memref<1024xi32, #tpu.memory_space<vmem>>, %arg6: memref<512x128xf32, #tpu.memory_space<vmem>>, %arg7: memref<!tpu.dma_semaphore, #tpu.memory_space<semaphore_mem>>) attributes {dimension_semantics = [#tpu.dimension_semantics<core_parallel>, #tpu.dimension_semantics<subcore_parallel>], iteration_bounds = array<i64: 2, 16>, scalar_prefetch = 0 : i64, scratch_operands = 3 : i64, tpu.core_type = #tpu.core_type<sc_vector_subcore>, window_params = [{transform_indices = #map}, {transform_indices = #map1}, {transform_indices = #map1}]} {
    %mul3A = arith.constant 2 : i32
    %mul3A_0 = arith.muli %arg1, %mul3A : i32
    %add3A = arith.addi %mul3A_0, %arg0 : i32
    %mul3A_1 = arith.constant 1024 : i32
    %mul3A_2 = arith.muli %add3A, %mul3A_1 : i32
    "tpu.region"() ({
      %run_scoped3A = tpu.sem_alloc : memref<!tpu.dma_semaphore, #tpu.memory_space<semaphore_mem>>
      %dma_start3A_25 = tpu.memref_slice %arg2[%mul3A_2] : memref<32768xi32, #tpu.memory_space<hbm>> -> memref<1024xi32, #tpu.memory_space<hbm>>
      %dma_start3A_26 = tpu.memref_slice %arg2[%mul3A_2] : memref<32768xi32, #tpu.memory_space<hbm>> -> memref<1024xi32, #tpu.memory_space<hbm>>
      tpu.enqueue_dma source(%dma_start3A_26 : memref<1024xi32, #tpu.memory_space<hbm>>) target(%arg5 : memref<1024xi32, #tpu.memory_space<vmem>>) target_semaphore(%run_scoped3A : memref<!tpu.dma_semaphore, #tpu.memory_space<semaphore_mem>>)
      %dma_wait3A_27 = tpu.memref_slice %arg2[%mul3A_2] : memref<32768xi32, #tpu.memory_space<hbm>> -> memref<1024xi32, #tpu.memory_space<hbm>>
      %dma_wait3A_28 = tpu.memref_slice %arg2[%mul3A_2] : memref<32768xi32, #tpu.memory_space<hbm>> -> memref<1024xi32, #tpu.memory_space<hbm>>
      tpu.wait_dma2 semaphore(%run_scoped3A : memref<!tpu.dma_semaphore, #tpu.memory_space<semaphore_mem>>) src(%dma_wait3A_28 : memref<1024xi32, #tpu.memory_space<hbm>>) dst(%arg5 : memref<1024xi32, #tpu.memory_space<vmem>>)
      tpu.yield
    }) : () -> ()
    %dma_start3A = arith.constant 0 : i32
    %dma_start3A_3 = tpu.memref_slice %arg5[%dma_start3A] : memref<1024xi32, #tpu.memory_space<vmem>> -> memref<512xi32, #tpu.memory_space<vmem>>
    %dma_start3A_4 = arith.constant 0 : i32
    %dma_start3A_5 = arith.constant 0 : i32
    %dma_start3A_6 = tpu.memref_slice %arg3[%dma_start3A_4, %dma_start3A_5] : memref<1024x128xf32, #tpu.memory_space<hbm>> -> memref<1024x128xf32, #tpu.memory_space<hbm>>
    tpu.enqueue_indirect_dma source(%dma_start3A_6 : memref<1024x128xf32, #tpu.memory_space<hbm>>) target(%arg6 : memref<512x128xf32, #tpu.memory_space<vmem>>) offsets(%dma_start3A_3 : memref<512xi32, #tpu.memory_space<vmem>>) semaphore(%arg7 : memref<!tpu.dma_semaphore, #tpu.memory_space<semaphore_mem>>)
    %dma_wait3A = arith.constant 0 : i32
    %dma_wait3A_7 = tpu.memref_slice %arg5[%dma_wait3A] : memref<1024xi32, #tpu.memory_space<vmem>> -> memref<512xi32, #tpu.memory_space<vmem>>
    %dma_wait3A_8 = arith.constant 0 : i32
    %dma_wait3A_9 = arith.constant 0 : i32
    %dma_wait3A_10 = tpu.memref_slice %arg3[%dma_wait3A_8, %dma_wait3A_9] : memref<1024x128xf32, #tpu.memory_space<hbm>> -> memref<1024x128xf32, #tpu.memory_space<hbm>>
    tpu.wait_indirect_dma semaphore(%arg7 : memref<!tpu.dma_semaphore, #tpu.memory_space<semaphore_mem>>) src(%dma_wait3A_10 : memref<1024x128xf32, #tpu.memory_space<hbm>>) dst(%arg6 : memref<512x128xf32, #tpu.memory_space<vmem>>)
    %add3A_11 = arith.constant 0 : i32
    %add3A_12 = arith.addi %mul3A_2, %add3A_11 : i32
    "tpu.region"() ({
      %run_scoped3A = tpu.sem_alloc : memref<!tpu.dma_semaphore, #tpu.memory_space<semaphore_mem>>
      %dma_start3A_25 = arith.constant 0 : i32
      %dma_start3A_26 = tpu.memref_slice %arg4[%add3A_12, %dma_start3A_25] : memref<32768x128xf32, #tpu.memory_space<hbm>> -> memref<512x128xf32, #tpu.memory_space<hbm>>
      %dma_start3A_27 = arith.constant 0 : i32
      %dma_start3A_28 = tpu.memref_slice %arg4[%add3A_12, %dma_start3A_27] : memref<32768x128xf32, #tpu.memory_space<hbm>> -> memref<512x128xf32, #tpu.memory_space<hbm>>
      tpu.enqueue_dma source(%arg6 : memref<512x128xf32, #tpu.memory_space<vmem>>) target(%dma_start3A_28 : memref<512x128xf32, #tpu.memory_space<hbm>>) target_semaphore(%run_scoped3A : memref<!tpu.dma_semaphore, #tpu.memory_space<semaphore_mem>>)
      %dma_wait3A_29 = arith.constant 0 : i32
      %dma_wait3A_30 = tpu.memref_slice %arg4[%add3A_12, %dma_wait3A_29] : memref<32768x128xf32, #tpu.memory_space<hbm>> -> memref<512x128xf32, #tpu.memory_space<hbm>>
      %dma_wait3A_31 = arith.constant 0 : i32
      %dma_wait3A_32 = tpu.memref_slice %arg4[%add3A_12, %dma_wait3A_31] : memref<32768x128xf32, #tpu.memory_space<hbm>> -> memref<512x128xf32, #tpu.memory_space<hbm>>
      tpu.wait_dma2 semaphore(%run_scoped3A : memref<!tpu.dma_semaphore, #tpu.memory_space<semaphore_mem>>) src(%arg6 : memref<512x128xf32, #tpu.memory_space<vmem>>) dst(%dma_wait3A_32 : memref<512x128xf32, #tpu.memory_space<hbm>>)
      tpu.yield
    }) : () -> ()
    %dma_start3A_13 = arith.constant 512 : i32
    %dma_start3A_14 = tpu.memref_slice %arg5[%dma_start3A_13] : memref<1024xi32, #tpu.memory_space<vmem>> -> memref<512xi32, #tpu.memory_space<vmem>>
    %dma_start3A_15 = arith.constant 0 : i32
    %dma_start3A_16 = arith.constant 0 : i32
    %dma_start3A_17 = tpu.memref_slice %arg3[%dma_start3A_15, %dma_start3A_16] : memref<1024x128xf32, #tpu.memory_space<hbm>> -> memref<1024x128xf32, #tpu.memory_space<hbm>>
    tpu.enqueue_indirect_dma source(%dma_start3A_17 : memref<1024x128xf32, #tpu.memory_space<hbm>>) target(%arg6 : memref<512x128xf32, #tpu.memory_space<vmem>>) offsets(%dma_start3A_14 : memref<512xi32, #tpu.memory_space<vmem>>) semaphore(%arg7 : memref<!tpu.dma_semaphore, #tpu.memory_space<semaphore_mem>>)
    %dma_wait3A_18 = arith.constant 512 : i32
    %dma_wait3A_19 = tpu.memref_slice %arg5[%dma_wait3A_18] : memref<1024xi32, #tpu.memory_space<vmem>> -> memref<512xi32, #tpu.memory_space<vmem>>
    %dma_wait3A_20 = arith.constant 0 : i32
    %dma_wait3A_21 = arith.constant 0 : i32
    %dma_wait3A_22 = tpu.memref_slice %arg3[%dma_wait3A_20, %dma_wait3A_21] : memref<1024x128xf32, #tpu.memory_space<hbm>> -> memref<1024x128xf32, #tpu.memory_space<hbm>>
    tpu.wait_indirect_dma semaphore(%arg7 : memref<!tpu.dma_semaphore, #tpu.memory_space<semaphore_mem>>) src(%dma_wait3A_22 : memref<1024x128xf32, #tpu.memory_space<hbm>>) dst(%arg6 : memref<512x128xf32, #tpu.memory_space<vmem>>)
    %add3A_23 = arith.constant 512 : i32
    %add3A_24 = arith.addi %mul3A_2, %add3A_23 : i32
    "tpu.region"() ({
      %run_scoped3A = tpu.sem_alloc : memref<!tpu.dma_semaphore, #tpu.memory_space<semaphore_mem>>
      %dma_start3A_25 = arith.constant 0 : i32
      %dma_start3A_26 = tpu.memref_slice %arg4[%add3A_24, %dma_start3A_25] : memref<32768x128xf32, #tpu.memory_space<hbm>> -> memref<512x128xf32, #tpu.memory_space<hbm>>
      %dma_start3A_27 = arith.constant 0 : i32
      %dma_start3A_28 = tpu.memref_slice %arg4[%add3A_24, %dma_start3A_27] : memref<32768x128xf32, #tpu.memory_space<hbm>> -> memref<512x128xf32, #tpu.memory_space<hbm>>
      tpu.enqueue_dma source(%arg6 : memref<512x128xf32, #tpu.memory_space<vmem>>) target(%dma_start3A_28 : memref<512x128xf32, #tpu.memory_space<hbm>>) target_semaphore(%run_scoped3A : memref<!tpu.dma_semaphore, #tpu.memory_space<semaphore_mem>>)
      %dma_wait3A_29 = arith.constant 0 : i32
      %dma_wait3A_30 = tpu.memref_slice %arg4[%add3A_24, %dma_wait3A_29] : memref<32768x128xf32, #tpu.memory_space<hbm>> -> memref<512x128xf32, #tpu.memory_space<hbm>>
      %dma_wait3A_31 = arith.constant 0 : i32
      %dma_wait3A_32 = tpu.memref_slice %arg4[%add3A_24, %dma_wait3A_31] : memref<32768x128xf32, #tpu.memory_space<hbm>> -> memref<512x128xf32, #tpu.memory_space<hbm>>
      tpu.wait_dma2 semaphore(%run_scoped3A : memref<!tpu.dma_semaphore, #tpu.memory_space<semaphore_mem>>) src(%arg6 : memref<512x128xf32, #tpu.memory_space<vmem>>) dst(%dma_wait3A_32 : memref<512x128xf32, #tpu.memory_space<hbm>>)
      tpu.yield
    }) : () -> ()
    return
  }
}

#map = affine_map<(d0, d1) -> (0)>
#map1 = affine_map<(d0, d1) -> (0, 0)>
module attributes {stable_mosaic.version = 14 : i64} {
  func.func @_gather_sc(%arg0: i32, %arg1: i32, %arg2: memref<32768xi32, #tpu.memory_space<hbm>>, %arg3: memref<1024x128xf32, #tpu.memory_space<hbm>>, %arg4: memref<32768x128xf32, #tpu.memory_space<hbm>>, %arg5: memref<1024xi32, #tpu.memory_space<vmem>>, %arg6: memref<512x128xf32, #tpu.memory_space<vmem>>, %arg7: memref<!tpu.dma_semaphore, #tpu.memory_space<semaphore_mem>>) attributes {dimension_semantics = [#tpu.dimension_semantics<core_parallel>, #tpu.dimension_semantics<subcore_parallel>], iteration_bounds = array<i64: 2, 16>, scalar_prefetch = 0 : i64, scratch_operands = 3 : i64, tpu.core_type = #tpu.core_type<sc_vector_subcore>, window_params = [{transform_indices = #map}, {transform_indices = #map1}, {transform_indices = #map1}]} {
    %mul3A = arith.constant 2 : i32
    %mul3A_0 = arith.muli %arg1, %mul3A : i32
    %add3A = arith.addi %mul3A_0, %arg0 : i32
    %mul3A_1 = arith.constant 1024 : i32
    %mul3A_2 = arith.muli %add3A, %mul3A_1 : i32
    "tpu.region"() ({
      %run_scoped3A = tpu.sem_alloc : memref<!tpu.dma_semaphore, #tpu.memory_space<semaphore_mem>>
      %dma_start3A_25 = tpu.memref_slice %arg2[%mul3A_2] : memref<32768xi32, #tpu.memory_space<hbm>> -> memref<1024xi32, #tpu.memory_space<hbm>>
      %dma_start3A_26 = tpu.memref_slice %arg2[%mul3A_2] : memref<32768xi32, #tpu.memory_space<hbm>> -> memref<1024xi32, #tpu.memory_space<hbm>>
      tpu.enqueue_dma source(%dma_start3A_26 : memref<1024xi32, #tpu.memory_space<hbm>>) target(%arg5 : memref<1024xi32, #tpu.memory_space<vmem>>) target_semaphore(%run_scoped3A : memref<!tpu.dma_semaphore, #tpu.memory_space<semaphore_mem>>)
      %dma_wait3A_27 = tpu.memref_slice %arg2[%mul3A_2] : memref<32768xi32, #tpu.memory_space<hbm>> -> memref<1024xi32, #tpu.memory_space<hbm>>
      %dma_wait3A_28 = tpu.memref_slice %arg2[%mul3A_2] : memref<32768xi32, #tpu.memory_space<hbm>> -> memref<1024xi32, #tpu.memory_space<hbm>>
      tpu.wait_dma2 semaphore(%run_scoped3A : memref<!tpu.dma_semaphore, #tpu.memory_space<semaphore_mem>>) src(%dma_wait3A_28 : memref<1024xi32, #tpu.memory_space<hbm>>) dst(%arg5 : memref<1024xi32, #tpu.memory_space<vmem>>)
      tpu.yield
    }) : () -> ()
    %dma_start3A = arith.constant 0 : i32
    %dma_start3A_3 = tpu.memref_slice %arg5[%dma_start3A] : memref<1024xi32, #tpu.memory_space<vmem>> -> memref<512xi32, #tpu.memory_space<vmem>>
    %dma_start3A_4 = arith.constant 0 : i32
    %dma_start3A_5 = arith.constant 0 : i32
    %dma_start3A_6 = tpu.memref_slice %arg3[%dma_start3A_4, %dma_start3A_5] : memref<1024x128xf32, #tpu.memory_space<hbm>> -> memref<1024x128xf32, #tpu.memory_space<hbm>>
    tpu.enqueue_indirect_dma source(%dma_start3A_6 : memref<1024x128xf32, #tpu.memory_space<hbm>>) target(%arg6 : memref<512x128xf32, #tpu.memory_space<vmem>>) offsets(%dma_start3A_3 : memref<512xi32, #tpu.memory_space<vmem>>) semaphore(%arg7 : memref<!tpu.dma_semaphore, #tpu.memory_space<semaphore_mem>>)
    %dma_wait3A = arith.constant 0 : i32
    %dma_wait3A_7 = tpu.memref_slice %arg5[%dma_wait3A] : memref<1024xi32, #tpu.memory_space<vmem>> -> memref<512xi32, #tpu.memory_space<vmem>>
    %dma_wait3A_8 = arith.constant 0 : i32
    %dma_wait3A_9 = arith.constant 0 : i32
    %dma_wait3A_10 = tpu.memref_slice %arg3[%dma_wait3A_8, %dma_wait3A_9] : memref<1024x128xf32, #tpu.memory_space<hbm>> -> memref<1024x128xf32, #tpu.memory_space<hbm>>
    tpu.wait_indirect_dma semaphore(%arg7 : memref<!tpu.dma_semaphore, #tpu.memory_space<semaphore_mem>>) src(%dma_wait3A_10 : memref<1024x128xf32, #tpu.memory_space<hbm>>) dst(%arg6 : memref<512x128xf32, #tpu.memory_space<vmem>>)
    %add3A_11 = arith.constant 0 : i32
    %add3A_12 = arith.addi %mul3A_2, %add3A_11 : i32
    "tpu.region"() ({
      %run_scoped3A = tpu.sem_alloc : memref<!tpu.dma_semaphore, #tpu.memory_space<semaphore_mem>>
      %dma_start3A_25 = arith.constant 0 : i32
      %dma_start3A_26 = tpu.memref_slice %arg4[%add3A_12, %dma_start3A_25] : memref<32768x128xf32, #tpu.memory_space<hbm>> -> memref<512x128xf32, #tpu.memory_space<hbm>>
      %dma_start3A_27 = arith.constant 0 : i32
      %dma_start3A_28 = tpu.memref_slice %arg4[%add3A_12, %dma_start3A_27] : memref<32768x128xf32, #tpu.memory_space<hbm>> -> memref<512x128xf32, #tpu.memory_space<hbm>>
      tpu.enqueue_dma source(%arg6 : memref<512x128xf32, #tpu.memory_space<vmem>>) target(%dma_start3A_28 : memref<512x128xf32, #tpu.memory_space<hbm>>) target_semaphore(%run_scoped3A : memref<!tpu.dma_semaphore, #tpu.memory_space<semaphore_mem>>)
      %dma_wait3A_29 = arith.constant 0 : i32
      %dma_wait3A_30 = tpu.memref_slice %arg4[%add3A_12, %dma_wait3A_29] : memref<32768x128xf32, #tpu.memory_space<hbm>> -> memref<512x128xf32, #tpu.memory_space<hbm>>
      %dma_wait3A_31 = arith.constant 0 : i32
      %dma_wait3A_32 = tpu.memref_slice %arg4[%add3A_12, %dma_wait3A_31] : memref<32768x128xf32, #tpu.memory_space<hbm>> -> memref<512x128xf32, #tpu.memory_space<hbm>>
      tpu.wait_dma2 semaphore(%run_scoped3A : memref<!tpu.dma_semaphore, #tpu.memory_space<semaphore_mem>>) src(%arg6 : memref<512x128xf32, #tpu.memory_space<vmem>>) dst(%dma_wait3A_32 : memref<512x128xf32, #tpu.memory_space<hbm>>)
      tpu.yield
    }) : () -> ()
    %dma_start3A_13 = arith.constant 512 : i32
    %dma_start3A_14 = tpu.memref_slice %arg5[%dma_start3A_13] : memref<1024xi32, #tpu.memory_space<vmem>> -> memref<512xi32, #tpu.memory_space<vmem>>
    %dma_start3A_15 = arith.constant 0 : i32
    %dma_start3A_16 = arith.constant 0 : i32
    %dma_start3A_17 = tpu.memref_slice %arg3[%dma_start3A_15, %dma_start3A_16] : memref<1024x128xf32, #tpu.memory_space<hbm>> -> memref<1024x128xf32, #tpu.memory_space<hbm>>
    tpu.enqueue_indirect_dma source(%dma_start3A_17 : memref<1024x128xf32, #tpu.memory_space<hbm>>) target(%arg6 : memref<512x128xf32, #tpu.memory_space<vmem>>) offsets(%dma_start3A_14 : memref<512xi32, #tpu.memory_space<vmem>>) semaphore(%arg7 : memref<!tpu.dma_semaphore, #tpu.memory_space<semaphore_mem>>)
    %dma_wait3A_18 = arith.constant 512 : i32
    %dma_wait3A_19 = tpu.memref_slice %arg5[%dma_wait3A_18] : memref<1024xi32, #tpu.memory_space<vmem>> -> memref<512xi32, #tpu.memory_space<vmem>>
    %dma_wait3A_20 = arith.constant 0 : i32
    %dma_wait3A_21 = arith.constant 0 : i32
    %dma_wait3A_22 = tpu.memref_slice %arg3[%dma_wait3A_20, %dma_wait3A_21] : memref<1024x128xf32, #tpu.memory_space<hbm>> -> memref<1024x128xf32, #tpu.memory_space<hbm>>
    tpu.wait_indirect_dma semaphore(%arg7 : memref<!tpu.dma_semaphore, #tpu.memory_space<semaphore_mem>>) src(%dma_wait3A_22 : memref<1024x128xf32, #tpu.memory_space<hbm>>) dst(%arg6 : memref<512x128xf32, #tpu.memory_space<vmem>>)
    %add3A_23 = arith.constant 512 : i32
    %add3A_24 = arith.addi %mul3A_2, %add3A_23 : i32
    "tpu.region"() ({
      %run_scoped3A = tpu.sem_alloc : memref<!tpu.dma_semaphore, #tpu.memory_space<semaphore_mem>>
      %dma_start3A_25 = arith.constant 0 : i32
      %dma_start3A_26 = tpu.memref_slice %arg4[%add3A_24, %dma_start3A_25] : memref<32768x128xf32, #tpu.memory_space<hbm>> -> memref<512x128xf32, #tpu.memory_space<hbm>>
      %dma_start3A_27 = arith.constant 0 : i32
      %dma_start3A_28 = tpu.memref_slice %arg4[%add3A_24, %dma_start3A_27] : memref<32768x128xf32, #tpu.memory_space<hbm>> -> memref<512x128xf32, #tpu.memory_space<hbm>>
      tpu.enqueue_dma source(%arg6 : memref<512x128xf32, #tpu.memory_space<vmem>>) target(%dma_start3A_28 : memref<512x128xf32, #tpu.memory_space<hbm>>) target_semaphore(%run_scoped3A : memref<!tpu.dma_semaphore, #tpu.memory_space<semaphore_mem>>)
      %dma_wait3A_29 = arith.constant 0 : i32
      %dma_wait3A_30 = tpu.memref_slice %arg4[%add3A_24, %dma_wait3A_29] : memref<32768x128xf32, #tpu.memory_space<hbm>> -> memref<512x128xf32, #tpu.memory_space<hbm>>
      %dma_wait3A_31 = arith.constant 0 : i32
      %dma_wait3A_32 = tpu.memref_slice %arg4[%add3A_24, %dma_wait3A_31] : memref<32768x128xf32, #tpu.memory_space<hbm>> -> memref<512x128xf32, #tpu.memory_space<hbm>>
      tpu.wait_dma2 semaphore(%run_scoped3A : memref<!tpu.dma_semaphore, #tpu.memory_space<semaphore_mem>>) src(%arg6 : memref<512x128xf32, #tpu.memory_space<vmem>>) dst(%dma_wait3A_32 : memref<512x128xf32, #tpu.memory_space<hbm>>)
      tpu.yield
    }) : () -> ()
    return
  }
}

module attributes {stable_mosaic.version = 14 : i64} {
  func.func @_vq_body(%arg0: i32, %arg1: memref<1x64x64x64xf32, #tpu.memory_space<vmem>>, %arg2: memref<1024x64xf32, #tpu.memory_space<vmem>>, %arg3: memref<4096x1xf32, #tpu.memory_space<vmem>>, %arg4: memref<1x1024xf32, #tpu.memory_space<vmem>>, %arg5: memref<1x1x4096xi32, #tpu.memory_space<vmem>>, %arg6: memref<1x1xf32, #tpu.memory_space<vmem>>, %arg7: memref<1x1xf32, #tpu.memory_space<vmem>>, %arg8: memref<1x1024xf32, #tpu.memory_space<vmem>>, %arg9: memref<1xf32, #tpu.memory_space<smem>>) attributes {dimension_semantics = [#tpu.dimension_semantics<arbitrary>], iteration_bounds = array<i64: 8>, scalar_prefetch = 0 : i64, scratch_operands = 2 : i64, tpu.core_type = #tpu.core_type<tc>, window_params = [{transform_indices = @transform_0, window_bounds = array<i64: 1, 64, 64, 64>}, {pipeline_mode = #tpu.pipeline_mode<synchronous>, transform_indices = @transform_1, window_bounds = array<i64: 1024, 64>}, {transform_indices = @transform_2, window_bounds = array<i64: 4096, 1>}, {pipeline_mode = #tpu.pipeline_mode<synchronous>, transform_indices = @transform_3, window_bounds = array<i64: 1, 1024>}, {transform_indices = @transform_4, window_bounds = array<i64: 1, 1, 4096>}, {pipeline_mode = #tpu.pipeline_mode<synchronous>, transform_indices = @transform_5, window_bounds = array<i64: 1, 1>}, {pipeline_mode = #tpu.pipeline_mode<synchronous>, transform_indices = @transform_6, window_bounds = array<i64: 1, 1>}]} {
    %get3A = arith.constant 0 : index
    %get3A_0 = arith.constant 0 : index
    %get3A_1 = arith.constant 0 : index
    %get3A_2 = arith.constant 0 : index
    %get3A_3 = vector.load %arg1[%get3A, %get3A_0, %get3A_1, %get3A_2] : memref<1x64x64x64xf32, #tpu.memory_space<vmem>>, vector<1x64x64x64xf32>
    %get3A_4 = vector.shape_cast %get3A_3 : vector<1x64x64x64xf32> to vector<64x64x64xf32>
    %reshape3A = vector.shape_cast %get3A_4 : vector<64x64x64xf32> to vector<64x4096xf32>
    %transpose3A = tpu.transpose %reshape3A, [1, 0] : vector<64x4096xf32> -> vector<4096x64xf32>
    %get3A_5 = arith.constant 0 : index
    %get3A_6 = arith.constant 0 : index
    %get3A_7 = vector.load %arg2[%get3A_5, %get3A_6] : memref<1024x64xf32, #tpu.memory_space<vmem>>, vector<1024x64xf32>
    %get3A_8 = arith.constant 0 : index
    %get3A_9 = arith.constant 0 : index
    %get3A_10 = vector.load %arg4[%get3A_8, %get3A_9] : memref<1x1024xf32, #tpu.memory_space<vmem>>, vector<1x1024xf32>
    %get3A_11 = vector.shape_cast %get3A_10 : vector<1x1024xf32> to vector<1024xf32>
    %get3A_12 = arith.constant 0 : index
    %get3A_13 = arith.constant 0 : index
    %get3A_14 = vector.load %arg3[%get3A_12, %get3A_13] : memref<4096x1xf32, #tpu.memory_space<vmem>>, vector<4096x1xf32>
    %mul3A = arith.constant -2.000000e+00 : f32
    %mul3A_15 = vector.broadcast %mul3A : f32 to vector<1024x64xf32>
    %mul3A_16 = arith.mulf %mul3A_15, %get3A_7 : vector<1024x64xf32>
    %dot_general3A = arith.constant dense<0.000000e+00> : vector<4096x1024xf32>
    %dot_general3A_17 = tpu.matmul %transpose3A, %mul3A_16, %dot_general3A {dimension_numbers = #tpu.dot_dimension_numbers<[1], [1], [0], [0], [0, 0, 1, 0], [], []>, transpose_lhs_hint = false} : vector<4096x64xf32>, vector<1024x64xf32>, vector<4096x1024xf32> -> vector<4096x1024xf32>
    %broadcast_in_dim3A = vector.shape_cast %get3A_11 : vector<1024xf32> to vector<1x1024xf32>
    %add3A = vector.broadcast %get3A_14 : vector<4096x1xf32> to vector<4096x1024xf32>
    %add3A_18 = vector.broadcast %broadcast_in_dim3A : vector<1x1024xf32> to vector<4096x1024xf32>
    %add3A_19 = arith.addf %add3A, %add3A_18 : vector<4096x1024xf32>
    %add3A_20 = arith.addf %add3A_19, %dot_general3A_17 : vector<4096x1024xf32>
    %iota3A = tpu.iota {dimensions = array<i32: 1>} : vector<4096x1024xi32>
    %convert_element_type3A = arith.sitofp %iota3A : vector<4096x1024xi32> to vector<4096x1024xf32>
    %reduce_min3A = arith.constant dense<0x7F800000> : vector<4096xf32>
    %reduce_min3A_21 = vector.multi_reduction <minimumf>, %add3A_20, %reduce_min3A [1] : vector<4096x1024xf32> to vector<4096xf32>
    %broadcast_in_dim3A_22 = vector.shape_cast %reduce_min3A_21 : vector<4096xf32> to vector<4096x1xf32>
    %eq3A = vector.broadcast %broadcast_in_dim3A_22 : vector<4096x1xf32> to vector<4096x1024xf32>
    %eq3A_23 = arith.cmpf oeq, %add3A_20, %eq3A : vector<4096x1024xf32>
    %jit3A = arith.constant 1.024000e+03 : f32
    %broadcast_in_dim3A_24 = vector.broadcast %jit3A : f32 to vector<4096x1024xf32>
    %select_n3A = arith.select %eq3A_23, %convert_element_type3A, %broadcast_in_dim3A_24 : vector<4096x1024xi1>, vector<4096x1024xf32>
    %reduce_min3A_25 = arith.constant dense<0x7F800000> : vector<4096xf32>
    %reduce_min3A_26 = vector.multi_reduction <minimumf>, %select_n3A, %reduce_min3A_25 [1] : vector<4096x1024xf32> to vector<4096xf32>
    %broadcast_in_dim3A_27 = vector.shape_cast %reduce_min3A_26 : vector<4096xf32> to vector<4096x1xf32>
    %squeeze3A = vector.shape_cast %broadcast_in_dim3A_27 : vector<4096x1xf32> to vector<4096xf32>
    %convert_element_type3A_28 = arith.fptosi %squeeze3A : vector<4096xf32> to vector<4096xi32>
    %swap3A = arith.constant 0 : index
    %swap3A_29 = arith.constant 0 : index
    %swap3A_30 = arith.constant 0 : index
    %swap3A_31 = vector.load %arg5[%swap3A, %swap3A_29, %swap3A_30] : memref<1x1x4096xi32, #tpu.memory_space<vmem>>, vector<1x1x4096xi32>
    %swap3A_32 = vector.shape_cast %swap3A_31 : vector<1x1x4096xi32> to vector<4096xi32>
    %swap3A_33 = vector.shape_cast %convert_element_type3A_28 : vector<4096xi32> to vector<1x1x4096xi32>
    tpu.vector_store %arg5[%swap3A, %swap3A_29, %swap3A_30], %swap3A_33 {strides = array<i32>} : memref<1x1x4096xi32, #tpu.memory_space<vmem>>, vector<1x1x4096xi32>,
    %eq3A_34 = vector.broadcast %broadcast_in_dim3A_27 : vector<4096x1xf32> to vector<4096x1024xf32>
    %eq3A_35 = arith.cmpf oeq, %select_n3A, %eq3A_34 : vector<4096x1024xf32>
    %convert_element_type3A_36 = arith.extui %eq3A_35 : vector<4096x1024xi1> to vector<4096x1024xi32>
    %convert_element_type3A_37 = arith.sitofp %convert_element_type3A_36 : vector<4096x1024xi32> to vector<4096x1024xf32>
    %broadcast_in_dim3A_38 = arith.constant 1.000000e+00 : f32
    %broadcast_in_dim3A_39 = vector.broadcast %broadcast_in_dim3A_38 : f32 to vector<1x4096xf32>
    %dot_general3A_40 = arith.constant dense<0.000000e+00> : vector<1x1024xf32>
    %dot_general3A_41 = tpu.matmul %broadcast_in_dim3A_39, %convert_element_type3A_37, %dot_general3A_40 {dimension_numbers = #tpu.dot_dimension_numbers<[1], [0], [0], [1], [0, 0, 1, 1], [], []>, transpose_lhs_hint = false} : vector<1x4096xf32>, vector<4096x1024xf32>, vector<1x1024xf32> -> vector<1x1024xf32>
    %squeeze3A_42 = vector.shape_cast %dot_general3A_41 : vector<1x1024xf32> to vector<1024xf32>
    %reduce_sum3A = vector.shape_cast %broadcast_in_dim3A_22 : vector<4096x1xf32> to vector<1x4096x1xf32>
    %reduce_sum3A_43 = arith.constant dense<0.000000e+00> : vector<1xf32>
    %reduce_sum3A_44 = vector.multi_reduction <add>, %reduce_sum3A, %reduce_sum3A_43 [1, 2] : vector<1x4096x1xf32> to vector<1xf32>
    %reduce_sum3A_45 = vector.shape_cast %reduce_sum3A_44 : vector<1xf32> to vector<1x1x1xf32>
    %reduce_sum3A_46 = vector.extract %reduce_sum3A_45[0, 0, 0] : f32 from vector<1x1x1xf32>
    %eq3A_47 = arith.constant 0 : i32
    %eq3A_48 = arith.cmpi eq, %arg0, %eq3A_47 : i32
    %convert_element_type3A_49 = arith.extui %eq3A_48 : i1 to i32
    %cond3A = arith.constant 0 : i32
    %cond3A_50 = arith.cmpi ne, %convert_element_type3A_49, %cond3A : i32
    scf.if %cond3A_50 {
      %swap3A_60 = arith.constant 0 : index
      %swap3A_61 = arith.constant 0 : index
      %swap3A_62 = vector.load %arg8[%swap3A_60, %swap3A_61] : memref<1x1024xf32, #tpu.memory_space<vmem>>, vector<1x1024xf32>
      %swap3A_63 = vector.shape_cast %swap3A_62 : vector<1x1024xf32> to vector<1024xf32>
      %swap3A_64 = vector.shape_cast %squeeze3A_42 : vector<1024xf32> to vector<1x1024xf32>
      tpu.vector_store %arg8[%swap3A_60, %swap3A_61], %swap3A_64 {strides = array<i32>} : memref<1x1024xf32, #tpu.memory_space<vmem>>, vector<1x1024xf32>,
      %swap3A_65 = arith.constant 0 : index
      %swap3A_66 = memref.load %arg9[%swap3A_65] : memref<1xf32, #tpu.memory_space<smem>>
      memref.store %reduce_sum3A_46, %arg9[%swap3A_65] : memref<1xf32, #tpu.memory_space<smem>>
    } else {
    }
    %gt3A = arith.constant 0 : i32
    %gt3A_51 = arith.cmpi sgt, %arg0, %gt3A : i32
    %convert_element_type3A_52 = arith.extui %gt3A_51 : i1 to i32
    %cond3A_53 = arith.constant 0 : i32
    %cond3A_54 = arith.cmpi ne, %convert_element_type3A_52, %cond3A_53 : i32
    scf.if %cond3A_54 {
      %get3A_60 = arith.constant 0 : index
      %get3A_61 = arith.constant 0 : index
      %get3A_62 = vector.load %arg8[%get3A_60, %get3A_61] : memref<1x1024xf32, #tpu.memory_space<vmem>>, vector<1x1024xf32>
      %get3A_63 = vector.shape_cast %get3A_62 : vector<1x1024xf32> to vector<1024xf32>
      %add3A_64 = arith.addf %get3A_63, %squeeze3A_42 : vector<1024xf32>
      %swap3A_65 = arith.constant 0 : index
      %swap3A_66 = arith.constant 0 : index
      %swap3A_67 = vector.load %arg8[%swap3A_65, %swap3A_66] : memref<1x1024xf32, #tpu.memory_space<vmem>>, vector<1x1024xf32>
      %swap3A_68 = vector.shape_cast %swap3A_67 : vector<1x1024xf32> to vector<1024xf32>
      %swap3A_69 = vector.shape_cast %add3A_64 : vector<1024xf32> to vector<1x1024xf32>
      tpu.vector_store %arg8[%swap3A_65, %swap3A_66], %swap3A_69 {strides = array<i32>} : memref<1x1024xf32, #tpu.memory_space<vmem>>, vector<1x1024xf32>,
      %get3A_70 = arith.constant 0 : index
      %get3A_71 = memref.load %arg9[%get3A_70] : memref<1xf32, #tpu.memory_space<smem>>
      %add3A_72 = arith.addf %get3A_71, %reduce_sum3A_46 : f32
      %swap3A_73 = arith.constant 0 : index
      %swap3A_74 = memref.load %arg9[%swap3A_73] : memref<1xf32, #tpu.memory_space<smem>>
      memref.store %add3A_72, %arg9[%swap3A_73] : memref<1xf32, #tpu.memory_space<smem>>
    } else {
    }
    %eq3A_55 = arith.constant 7 : i32
    %eq3A_56 = arith.cmpi eq, %arg0, %eq3A_55 : i32
    %convert_element_type3A_57 = arith.extui %eq3A_56 : i1 to i32
    %cond3A_58 = arith.constant 0 : i32
    %cond3A_59 = arith.cmpi ne, %convert_element_type3A_57, %cond3A_58 : i32
    scf.if %cond3A_59 {
      %get3A_60 = arith.constant 0 : index
      %get3A_61 = memref.load %arg9[%get3A_60] : memref<1xf32, #tpu.memory_space<smem>>
      %mul3A_62 = arith.constant 1.250000e+00 : f32
      %mul3A_63 = arith.mulf %mul3A_62, %get3A_61 : f32
      %div3A = arith.constant 0x4A000000 : f32
      %div3A_64 = arith.divf %mul3A_63, %div3A : f32
      %broadcast_in_dim3A_65 = vector.broadcast %div3A_64 : f32 to vector<1x1xf32>
      %swap3A_66 = arith.constant 0 : index
      %swap3A_67 = arith.constant 0 : index
      %swap3A_68 = vector.load %arg6[%swap3A_66, %swap3A_67] : memref<1x1xf32, #tpu.memory_space<vmem>>, vector<1x1xf32>
      tpu.vector_store %arg6[%swap3A_66, %swap3A_67], %broadcast_in_dim3A_65 {strides = array<i32>} : memref<1x1xf32, #tpu.memory_space<vmem>>, vector<1x1xf32>,
      %get3A_69 = arith.constant 0 : index
      %get3A_70 = arith.constant 0 : index
      %get3A_71 = vector.load %arg8[%get3A_69, %get3A_70] : memref<1x1024xf32, #tpu.memory_space<vmem>>, vector<1x1024xf32>
      %get3A_72 = vector.shape_cast %get3A_71 : vector<1x1024xf32> to vector<1024xf32>
      %div3A_73 = arith.constant 3.276800e+04 : f32
      %div3A_74 = vector.broadcast %div3A_73 : f32 to vector<1024xf32>
      %div3A_75 = arith.divf %get3A_72, %div3A_74 : vector<1024xf32>
      %add3A_76 = arith.constant 1.000000e-10 : f32
      %add3A_77 = vector.broadcast %add3A_76 : f32 to vector<1024xf32>
      %add3A_78 = arith.addf %div3A_75, %add3A_77 : vector<1024xf32>
      %log3A = math.log %add3A_78 : vector<1024xf32>
      %mul3A_79 = arith.mulf %div3A_75, %log3A : vector<1024xf32>
      %reduce_sum3A_80 = vector.shape_cast %mul3A_79 : vector<1024xf32> to vector<1x1024xf32>
      %reduce_sum3A_81 = arith.constant dense<0.000000e+00> : vector<1xf32>
      %reduce_sum3A_82 = vector.multi_reduction <add>, %reduce_sum3A_80, %reduce_sum3A_81 [1] : vector<1x1024xf32> to vector<1xf32>
      %reduce_sum3A_83 = vector.shape_cast %reduce_sum3A_82 : vector<1xf32> to vector<1x1xf32>
      %reduce_sum3A_84 = vector.extract %reduce_sum3A_83[0, 0] : f32 from vector<1x1xf32>
      %neg3A = arith.constant 0.000000e+00 : f32
      %neg3A_85 = arith.subf %neg3A, %reduce_sum3A_84 : f32
      %exp3A = math.exp %neg3A_85 : f32
      %broadcast_in_dim3A_86 = vector.broadcast %exp3A : f32 to vector<1x1xf32>
      %swap3A_87 = arith.constant 0 : index
      %swap3A_88 = arith.constant 0 : index
      %swap3A_89 = vector.load %arg7[%swap3A_87, %swap3A_88] : memref<1x1xf32, #tpu.memory_space<vmem>>, vector<1x1xf32>
      tpu.vector_store %arg7[%swap3A_87, %swap3A_88], %broadcast_in_dim3A_86 {strides = array<i32>} : memref<1x1xf32, #tpu.memory_space<vmem>>, vector<1x1xf32>,
    } else {
    }
    return
  }
  func.func @transform_0(%arg0: i32) -> (i32, i32, i32, i32) {
    %c0_i32 = arith.constant 0 : i32
    %c0_i32_0 = arith.constant 0 : i32
    %c0_i32_1 = arith.constant 0 : i32
    %c0_i32_2 = arith.constant 0 : i32
    return %arg0, %c0_i32, %c0_i32_0, %c0_i32_1 : i32, i32, i32, i32
  }
  func.func @transform_1(%arg0: i32) -> (i32, i32) {
    %c0_i32 = arith.constant 0 : i32
    %c0_i32_0 = arith.constant 0 : i32
    %c0_i32_1 = arith.constant 0 : i32
    return %c0_i32, %c0_i32_0 : i32, i32
  }
  func.func @transform_2(%arg0: i32) -> (i32, i32) {
    %c0_i32 = arith.constant 0 : i32
    %c0_i32_0 = arith.constant 0 : i32
    return %arg0, %c0_i32 : i32, i32
  }
  func.func @transform_3(%arg0: i32) -> (i32, i32) {
    %c0_i32 = arith.constant 0 : i32
    %c0_i32_0 = arith.constant 0 : i32
    %c0_i32_1 = arith.constant 0 : i32
    return %c0_i32, %c0_i32_0 : i32, i32
  }
  func.func @transform_4(%arg0: i32) -> (i32, i32, i32) {
    %c0_i32 = arith.constant 0 : i32
    %c0_i32_0 = arith.constant 0 : i32
    %c0_i32_1 = arith.constant 0 : i32
    return %arg0, %c0_i32, %c0_i32_0 : i32, i32, i32
  }
  func.func @transform_5(%arg0: i32) -> (i32, i32) {
    %c0_i32 = arith.constant 0 : i32
    %c0_i32_0 = arith.constant 0 : i32
    %c0_i32_1 = arith.constant 0 : i32
    return %c0_i32, %c0_i32_0 : i32, i32
  }
  func.func @transform_6(%arg0: i32) -> (i32, i32) {
    %c0_i32 = arith.constant 0 : i32
    %c0_i32_0 = arith.constant 0 : i32
    %c0_i32_1 = arith.constant 0 : i32
    return %c0_i32, %c0_i32_0 : i32, i32
  }
}

</mosaic_0001>

<sc_bundles>
// kernel: kernel.6.cloned.1.call-start
scs
__scs_entry_jumppad:
0x0: {  	(pc) =	sbr.rel $0x88, $3  }
0x1: {  	(tag) =	ssettag $0x0;
	lr =	simm.s32 $0x1  }
0x2: {  	[smem:$0x3F9D] =	sst lr;
	_ =	strace $0xD0000000  }
0x3: {  	_ = 	snop  }
0x4: {  	_ = 	snop  }
0x5: {  	_ = 	snop  }
0x6: {  	_ = 	snop  }
0x7: {  	_ = 	snop  }
__scs_overlays_trampoline_lowered:
0x8: {  	[smem:$0x3FAC] =	sst s0  }
0x9: {  	[smem:$0x3FAD] =	sst s1  }
0xa: {  	[smem:$0x3FAE] =	sst s2  }
0xb: {  	[smem:$0x3FAF] =	sst s3  }
0xc: {  	[smem:$0x3FB0] =	sst s4  }
0xd: {  	[smem:$0x3FB1] =	sst s5  }
0xe: {  	[smem:$0x3FB2] =	sst s6  }
0xf: {  	[smem:$0x3FB3] =	sst s7  }
0x10: {  	[smem:$0x3FB4] =	sst s8  }
0x11: {  	[smem:$0x3FB5] =	sst s9;
	s0 =	simm.s32 @!p0 $0x0  }
0x12: {  	s1 =	sld [smem:$0x3F9B];
	s0 =	simm.s32 @p0 $0x1  }
0x13: {  	[smem:$0x3FB6] =	sst s0;
	s0 =	simm.s32 @!p1 $0x0  }
0x14: {  	s2 =	sld [smem:$0x3F9A];
	s0 =	simm.s32 @p1 $0x1  }
0x15: {  	[smem:$0x3FB7] =	sst s0;
	s0 =	simm.s32 @!p2 $0x0  }
0x16: {  	s3 =	sld [smem:$0x3FDB];
	s0 =	simm.s32 @p2 $0x1  }
0x17: {  	s4 =	simm.s32 $0x1BF5;
	[smem:$0x3FB9] =	sst s0  }
0x18: {  	s0 =	sld [smem:$0x3F9C];
	_ =	swait.ge [sflag:s4], $0x0  }
0x19: {  	s7 =	sld [smem:$0x3F9D]  }
0x1a: {  	s8 =	sadd.s32 $0xFFFFE003, lr  }
0x1b: {  	s9 =	sadd.s32 $0xFFFFFEF7, lr;
	s5 =	simm.s32 $0xFFFFFFFF;
	p2 =	slt.u32 s8, $0xFFFFF086  }
0x1c: {  	p1 =	slt.u32 s9, $0xF7A;
	s5 =	simm.s32 @!p2 $0x0  }
0x1d: {  	s5 =	simm.s32 @p1 $0x1;
	p0 =	seq.s32 s7, s2  }
0x1e: {  	s7 =	smul.u32 @!p0 $0xF7A, s2;
	p2 =	seq.s32 @!p0 s5, $0x0  }
0x1f: {  	s9 =	smul.u32 $0xF7A, s1;
	s8 =	simm.s32 @!p0 $0x1BF5;
	p2 =	por !p2, p0  }
0x20: {  	[sflag:s8] =	ssyncset.s32 @!p0 $0xFFFFF086;
	s6 =	sadd.s32 @!p0 s3, s7;
	s7 =	simm.s32 @!p0 $0x108  }
0x21: {  	s3 =	sadd.s32 s3, s9;
	s6 =	sadd.s32 @!p0 $0x88, s6;
	s7 =	simm.s32 @p2 $0x1082  }
0x22: {  	[simem:s7], [sflag:s8] =	dma.local @!p0 [hbm:s6], $0xF7A  }
0x23: {  	s9 =	sor.u32 $0xD0000000, s2;
	s6 =	simm.s32 $0x108;
	_ =	swait.ge @!p0 [sflag:s8], $0x0  }
0x24: {  	s3 =	sadd.s32 $0x88, s3;
	s6 =	simm.s32 @!p1 $0x1082;
	[sflag:s4] =	ssyncset.s32 $0xFFFFF086  }
0x25: {  	[simem:s6], [sflag:s4] =	dma.local [hbm:s3], $0xF7A  }
0x26: {  	[smem:$0x3F9D] =	sst s1;
	(tag) =	ssettag s2;
	_ =	strace s9  }
0x27: {  	s1 =	sld [smem:$0x3FAD]  }
0x28: {  	s2 =	sld [smem:$0x3FAE]  }
0x29: {  	s4 =	sld [smem:$0x3FB0]  }
0x2a: {  	p0 =	seq.s32 s5, $0x0;
	s5 =	sld [smem:$0x3FB1]  }
0x2b: {  	s6 =	sld [smem:$0x3FB2]  }
0x2c: {  	s7 =	sld [smem:$0x3FB3]  }
0x2d: {  	s3 =	simm.s32 $0x108;
	s8 =	sld [smem:$0x3FB4]  }
0x2e: {  	s3 =	simm.s32 @!p0 $0x1082;
	s9 =	sld [smem:$0x3FB5]  }
0x2f: {  	lr =	sadd.s32 s0, s3;
	s0 =	sld [smem:$0x3FAC]  }
0x30: {  	s3 =	sld [smem:$0x3FAF]  }
0x31: {  	[smem:$0x3FB8] =	sst s10  }
0x32: {  	s10 =	sld [smem:$0x3FB6];
	_ =	sdelay $0x3  }
0x33: {  	p0 =	seq.s32 s10, $0x1;
	s10 =	sld [smem:$0x3FB8];
	_ =	sdelay $0x3  }
0x34: {  	[smem:$0x3FB8] =	sst s10  }
0x35: {  	s10 =	sld [smem:$0x3FB7];
	_ =	sdelay $0x3  }
0x36: {  	p1 =	seq.s32 s10, $0x1;
	s10 =	sld [smem:$0x3FB8];
	_ =	sdelay $0x3  }
0x37: {  	[smem:$0x3FB8] =	sst s10  }
0x38: {  	s10 =	sld [smem:$0x3FB9]  }
0x39: {  	_ = 	snop;
	(pc) =	sbr.ind lr, $3  }
0x3a: {  	_ = 	snop  }
0x3b: {  	_ = 	snop  }
0x3c: {  	p2 =	seq.s32 s10, $0x1;
	s10 =	sld [smem:$0x3FB8]  }
0x3d: {  	_ =	shalt  }
0x3e: {  	_ =	shalt  }
0x3f: {  	_ =	shalt  }
0x40: {  	_ =	shalt  }
0x41: {  	_ =	shalt  }
0x42: {  	_ =	shalt  }
0x43: {  	_ =	shalt  }
0x44: {  	_ =	shalt  }
0x45: {  	_ =	shalt  }
0x46: {  	_ =	shalt  }
0x47: {  	_ =	shalt  }
0x48: {  	_ =	shalt  }
0x49: {  	_ =	shalt  }
0x4a: {  	_ =	shalt  }
0x4b: {  	_ =	shalt  }
0x4c: {  	_ =	shalt  }
0x4d: {  	_ =	shalt  }
0x4e: {  	_ =	shalt  }
0x4f: {  	_ =	shalt  }
0x50: {  	_ =	shalt  }
0x51: {  	_ =	shalt  }
0x52: {  	_ =	shalt  }
0x53: {  	_ =	shalt  }
0x54: {  	_ =	shalt  }
0x55: {  	_ =	shalt  }
0x56: {  	_ =	shalt  }
0x57: {  	_ =	shalt  }
0x58: {  	_ =	shalt  }
0x59: {  	_ =	shalt  }
0x5a: {  	_ =	shalt  }
0x5b: {  	_ =	shalt  }
0x5c: {  	_ =	shalt  }
0x5d: {  	_ =	shalt  }
0x5e: {  	_ =	shalt  }
0x5f: {  	_ =	shalt  }
0x60: {  	_ =	shalt  }
0x61: {  	_ =	shalt  }
0x62: {  	_ =	shalt  }
0x63: {  	_ =	shalt  }
0x64: {  	_ =	shalt  }
0x65: {  	_ =	shalt  }
0x66: {  	_ =	shalt  }
0x67: {  	_ =	shalt  }
0x68: {  	_ =	shalt  }
0x69: {  	_ =	shalt  }
0x6a: {  	_ =	shalt  }
0x6b: {  	_ =	shalt  }
0x6c: {  	_ =	shalt  }
0x6d: {  	_ =	shalt  }
0x6e: {  	_ =	shalt  }
0x6f: {  	_ =	shalt  }
0x70: {  	_ =	shalt  }
0x71: {  	_ =	shalt  }
0x72: {  	_ =	shalt  }
0x73: {  	_ =	shalt  }
0x74: {  	_ =	shalt  }
0x75: {  	_ =	shalt  }
0x76: {  	_ =	shalt  }
0x77: {  	_ =	shalt  }
0x78: {  	_ =	shalt  }
0x79: {  	_ =	shalt  }
0x7a: {  	_ =	shalt  }
0x7b: {  	_ =	shalt  }
0x7c: {  	_ =	shalt  }
0x7d: {  	_ =	shalt  }
0x7e: {  	_ =	shalt  }
0x7f: {  	_ =	shalt  }
0x80: {  	_ =	shalt  }
0x81: {  	_ =	shalt  }
0x82: {  	_ =	shalt  }
0x83: {  	_ =	shalt  }
0x84: {  	_ =	shalt  }
0x85: {  	_ =	shalt  }
0x86: {  	_ =	shalt  }
0x87: {  	_ =	shalt  }
.Lfunc_end0:
.L_simem_size_0:
called_computation_lowered:
.L_overlay_start_0:
0x88: {  	s2 =	sld [smem:$0x3FD9]  }
0x89: {  	s3 =	sld [smem:$0x3FFE];
	_ =	sdelay $0x1  }
0x8a: {  	s1 =	srdreg.scid  }
0x8b: {  	s0 =	sand.u32 $0x1, s1  }
0x8c: {  	s14 =	sshll.u32 s0, $0xA;
	s2 =	sadd.s32 s3, s2  }
0x8d: {  	s2 =	sadd.s32 s2, s14  }
0x8e: {  	[smem:$0x3FC4] =	sst s2  }
0x8f: {  	_ = 	snop  }
0x90: {  	s2 =	sld [smem:$0x3FD0];
	_ =	sdelay $0x2  }
0x91: {  	s15 =	simm.s32 $0xB;
	s4 =	simm.s32 $0x10  }
0x92: {  	[smem:s4], [sflag:s15] =	dma.local [hbm:s2], $0x1  }
0x93: {  	_ =	swait.eq [sflag:s15], $0x1  }
0x94: {  	[sflag:s15] =	ssyncset.done $0x0  }
0x95: {  	s16 =	sld [smem:$0x11];
	[sflag:s15] =	ssyncadd.s32 $0xFFFFFFFF  }
0x96: {  	s17 =	sld [smem:$0x14];
	(tm) =	ssettm $0x1  }
0x97: {  	s18 =	sld [smem:$0x3FFB];
	_ =	sdelay $0x3  }
0x98: {  	_ =	strace s18  }
0x99: {  	s4 =	sld [smem:$0x3FFC];
	_ =	sdelay $0x3  }
0x9a: {  	_ =	strace s4  }
0x9b: {  	s4 =	sld [smem:$0x3FFD];
	_ =	sdelay $0x3  }
0x9c: {  	_ =	strace s4  }
0x9d: {  	_ =	strace $0x8FFFFFFF  }
0x9e: {  	s19 =	sld [smem:$0x3FDB];
	_ =	sdelay $0x1  }
0x9f: {  	s5 =	simm.s32 $_scs_section_size  }
0xa0: {  	s6 =	simm.s32 $_size__tile_overlayer_lowered;
	s7 =	simm.s32 $_tile_overlayer_lowered  }
0xa1: {  	s22 =	simm.s32 $0x1BFF;
	s21 =	sshll.u32 s7, $0x1;
	s4 =	sadd.s32 s5, s19  }
0xa2: {  	s8 =	simm.s32 $0x0;
	s20 =	sshll.u32 s6, $0x1;
	s6 =	sadd.s32 s21, s4  }
0xa3: {  	[timem:s8], [sflag:s22] =	dma.local [hbm:s6], s20  }
0xa4: {  	_ =	swait.ge [sflag:s22], s20  }
0xa5: {  	s5 =	ssub.s32 $0x0, s20;
	[sflag:s22] =	ssyncset.done $0x0  }
0xa6: {  	[sflag:s22] =	ssyncadd.s32 s5;
	_ =	sdelay $0x1  }
0xa7: {  	s23 =	simm.s32 $0x1B8B  }
0xa8: {  	_ =	swait.ge [sflag:s23], $0x1  }
0xa9: {  	[sflag:s23] =	ssyncset.done $0x0  }
0xaa: {  	s25 =	simm.s32 $0x1B8E;
	s24 =	sld [smem:$0x3FFE];
	[sflag:s23] =	ssyncadd.s32 $0xFFFFFFFF  }
0xab: {  	s26 =	simm.s32 $execute0_lowered;
	[smem:$0x3FD2] =	sst s25  }
0xac: {  	s6 =	sshll.u32 s26, $0x1;
	_ =	strace $0x80000046;
	[dreg:$0x1] =	wrdreg $0xFFFFFFFF  }
0xad: {  	s28 =	simm.s32 $_size_execute0_lowered;
	s4 =	sadd.s32 s4, s6;
	[dreg:$0x0] =	wrdreg $0x0  }
0xae: {  	s6 =	sshll.u32 s28, $0x1;
	[dreg:$0x2] =	wrdreg s4  }
0xaf: {  	[dreg:$0x3] =	wrdreg s6  }
0xb0: {  	[dreg:$0x4] =	wrdreg $0xC0  }
0xb1: {  	_ =	task [dreg:s8], $0x5FFFF  }
0xb2: {  	[dreg:$0x1] =	wrdreg $0xFFFFFFFF  }
0xb3: {  	[dreg:$0x0] =	wrdreg $0x60  }
0xb4: {  	[dreg:$0x2] =	wrdreg s17  }
0xb5: {  	[dreg:$0x3] =	wrdreg s16  }
0xb6: {  	[dreg:$0x4] =	wrdreg s24  }
0xb7: {  	[dreg:$0x5] =	wrdreg $0x9  }
0xb8: {  	_ =	task.clear_ibuf [dreg:s8], $0x6FFFF;
	_ =	strace $0x90000046  }
0xb9: {  	s29 =	simm.s32 $0x9;
	_ =	strace $0x80000048  }
0xba: {  	_ =	swait.ge [sflag:s29], $0x1  }
0xbb: {  	[sflag:s29] =	ssyncadd.s32 $0xFFFFFFFF  }
0xbc: {  	_ =	strace $0x90000048  }
0xbd: {  	_ =	sfence  }
0xbe: {  	s30 =	sld [smem:$0x0];
	_ =	sdelay $0x2  }
0xbf: {  	s31 =	sshll.u32 s1, $0xD;
	s1 =	sshrl.u32 s1, $0x2  }
0xc0: {  	s3 =	sand.u32 $0x4000, s31;
	s1 =	sadd.s32 s1, s30  }
0xc1: {  	s0 =	sor.u32 s3, s0;
	s1 =	sshll.u32 s1, $0x11  }
0xc2: {  	s0 =	sor.u32 s1, s0  }
0xc3: {  	s0 =	sadd.s32 $0x8F2B, s0  }
0xc4: {  	[sflag:s0] =	ssyncadd.remote.s32 $0x1  }
0xc5: {  	_ =	sfence.sel $0xFFFF  }
0xc6: {  	[dreg:$0x0] =	wrdreg $0xFFFFFFFF;
	(pc) =	sbr.abs _section_cstart, $3  }
0xc7: {  	[dreg:$0x1] =	wrdreg $0xFFFFFFFF  }
0xc8: {  	_ =	task.clear_ibuf [dreg:s8], $0x2FFFF;
	_ =	strace $0x9FFFFFFF  }
0xc9: {  	(tm) =	ssettm $0x7FFFFFFF  }
tec
execute0_lowered:
.L_overlay_start_1:
0x0: {  	(tag) =	ssettag $0x1  }
0x1: {  	s4 =	rddreg [dreg:$0x0];
	s1 =	srdreg.scid  }
0x2: {  	s2 =	rddreg [dreg:$0x1];
	s0 =	stileid.u32;
	s10 =	sand.u32 $0x1, s1  }
0x3: {  	s9 =	rddreg [dreg:$0x2];
	s5 =	sshll.u32 s0, $0xB;
	s6 =	sshll.u32 s10, $0xA  }
0x4: {  	s3 =	simm.s32 $0x0;
	s1 =	rddreg [dreg:$0x3];
	s11 =	sor.u32 s6, s5  }
0x5: {  	[smem:$0x7FF] =	sst s3;
	s5 =	sshrl.u32 s11, $0x3  }
0x6: {  	_ =	strace $0x80000047;
	s5 =	sadd.s32 s4, s5;
	s4 =	simm.s32 $0x2  }
0x7: {  	[tilespmem:s3], [sflag:$0x2] =	stream.linear.gather [hbm4b:s5+s3], $0x400, $0x38;
	[tilespmem:$0x10400] =	vst v63  }
0x8: {  	_ =	swait.ge [sflag:s4], $0x400  }
0x9: {  	s7 =	simm.s32 $0x400;
	[sflag:s4] =	ssyncset.done $0x0  }
0xa: {  	s8 =	simm.s32 $0x1;
	s6 =	simm.s32 $0x200;
	[sflag:s4] =	ssyncadd.s32 $0xFFFFFC00  }
0xb: {  	[tilespmem:s7], [sflag:$0x1] =	stream.indirect.gather [hbm4b:s2+s6], $0x80, s3, s6, $0xb8;
	[tilespmem:$0x10400] =	vst v63  }
0xc: {  	s11 =	sshll.u32 s11, $0x4;
	_ =	swait.ge [sflag:s8], $0x10000  }
0xd: {  	s11 =	sadd.s32 s11, s9;
	[sflag:s8] =	ssyncset.done $0x0  }
0xe: {  	s10 =	ssub.s32 $0x2, s10;
	s9 =	sadd.s32 $0x2800, s11;
	[sflag:s8] =	ssyncadd.s32 $0xFFFF0000  }
0xf: {  	[hbm4b:s9+s3] =	stream.linear.scatter [tilespmem:s7], [sflag:$0x2], $0x10000, $0x38;
	[tilespmem:$0x10400] =	vst v63  }
0x10: {  	s12 =	sshrl.u32 s10, $0x1;
	_ =	swait.ge [sflag:s4], $0x10000  }
0x11: {  	s12 =	ssub.s32 s10, s12;
	[sflag:s4] =	ssyncset.done $0x0  }
0x12: {  	s31 =	smax.u32 s12, $0x1;
	[sflag:s4] =	ssyncadd.s32 $0xFFFF0000  }
0x13: {  	[tilespmem:s7], [sflag:$0x1] =	stream.indirect.gather [hbm4b:s2+s6], $0x80, s6, s6, $0xb8;
	[tilespmem:$0x10400] =	vst v63  }
0x14: {  	p0 =	sne.s32 s31, $0x1;
	_ =	swait.ge [sflag:s8], $0x10000  }
.Ltmp0:
0x15: {  	[sflag:s8] =	ssyncset.done $0x0;
	(pc) =	sbr.rel @!p0 .LBB2_2-.Ltmp0, $4  }
0x16: {  	s10 =	sadd.s32 $0x4800, s11;
	[sflag:s8] =	ssyncadd.s32 $0xFFFF0000  }
0x17: {  	[hbm4b:s10+s3] =	stream.linear.scatter [tilespmem:s7], [sflag:$0x2], $0x10000, $0x38;
	[tilespmem:$0x10400] =	vst v63  }
0x18: {  	_ =	swait.ge [sflag:s4], $0x10000  }
0x19: {  	s11 =	sadd.s32 $0xFFFFFFFF, s31;
	[sflag:s4] =	ssyncset.done $0x0  }
.LBB2_1:
0x1a: {  	p0 =	sne.s32 s11, $0x1;
	s11 =	sadd.s32 $0xFFFFFFFF, s11;
	[sflag:s4] =	ssyncadd.s32 $0xFFFF0000  }
0x1b: {  	[tilespmem:s3], [sflag:$0x2] =	stream.linear.gather [hbm4b:s5+s3], $0x400, $0x38;
	[tilespmem:$0x10400] =	vst v63  }
0x1c: {  	_ =	swait.ge [sflag:s4], $0x400  }
0x1d: {  	[sflag:s4] =	ssyncset.done $0x0  }
0x1e: {  	[sflag:s4] =	ssyncadd.s32 $0xFFFFFC00  }
0x1f: {  	[tilespmem:s7], [sflag:$0x1] =	stream.indirect.gather [hbm4b:s2+s6], $0x80, s3, s6, $0xb8;
	[tilespmem:$0x10400] =	vst v63  }
0x20: {  	_ =	swait.ge [sflag:s8], $0x10000  }
0x21: {  	[sflag:s8] =	ssyncset.done $0x0  }
0x22: {  	[sflag:s8] =	ssyncadd.s32 $0xFFFF0000  }
0x23: {  	[hbm4b:s9+s3] =	stream.linear.scatter [tilespmem:s7], [sflag:$0x2], $0x10000, $0x38;
	[tilespmem:$0x10400] =	vst v63  }
0x24: {  	_ =	swait.ge [sflag:s4], $0x10000  }
0x25: {  	[sflag:s4] =	ssyncset.done $0x0  }
0x26: {  	[sflag:s4] =	ssyncadd.s32 $0xFFFF0000  }
0x27: {  	[tilespmem:s7], [sflag:$0x1] =	stream.indirect.gather [hbm4b:s2+s6], $0x80, s6, s6, $0xb8;
	[tilespmem:$0x10400] =	vst v63  }
0x28: {  	_ =	swait.ge [sflag:s8], $0x10000  }
.Ltmp1:
0x29: {  	[sflag:s8] =	ssyncset.done $0x0;
	(pc) =	sbr.rel @p0 .LBB2_1-.Ltmp1, $4  }
0x2a: {  	[sflag:s8] =	ssyncadd.s32 $0xFFFF0000  }
0x2b: {  	[hbm4b:s10+s3] =	stream.linear.scatter [tilespmem:s7], [sflag:$0x2], $0x10000, $0x38;
	[tilespmem:$0x10400] =	vst v63  }
0x2c: {  	_ =	swait.ge [sflag:s4], $0x10000  }
0x2d: {  	[sflag:s4] =	ssyncset.done $0x0  }
.LBB2_2:
0x2e: {  	[sflag:s4] =	ssyncadd.s32 $0xFFFF0000  }
0x2f: {  	_ =	sfence.sel $0x180000  }
0x30: {  	[bflag:$0x0] =	sbarrier.arrive $0xFFFF  }
0x31: {  	p0 =	sne.s32 s0, $0x0;
	_ =	strace $0x90000047  }
0x32: {  	s0 =	sadd.s32 @!p0 $0x100000, s1;
	[bflag:$0x2] =	sbarrier.arrive $0xFFFF  }
0x33: {  	[sflag:s0] =	ssyncadd.tile.s32 @!p0 $0x1;
	_ =	shalt  }
.Lfunc_end2:
_tile_overlayer_lowered:
.L_overlay_start_2:
0x34: {  	(tag) =	ssettag $0x2  }
0x35: {  	s0 =	rddreg [dreg:$0x0];
	s2 =	stileid.u32  }
0x36: {  	s1 =	rddreg [dreg:$0x1];
	p0 =	sne.s32 s2, $0x0  }
0x37: {  	s3 =	rddreg [dreg:$0x2];
	[bflag:$0x3] =	sbarrier.arrive $0xFFFF;
	s2 =	simm.s32 @!p0 $0x1C02  }
0x38: {  	[timem:s3], [sflag:s2] =	dma.local @!p0 [hbm:s0], s1  }
0x39: {  	s0 =	simm.s32 @!p0 $0x2  }
0x3a: {  	_ =	swait.ge @!p0 [sflag:s0], s1  }
0x3b: {  	s1 =	ssub.s32 @!p0 $0x0, s1;
	[sflag:s0] =	ssyncset.done @!p0 $0x0  }
0x3c: {  	[sflag:s0] =	ssyncadd.s32 @!p0 s1  }
0x3d: {  	[bflag:$0x3] =	sbarrier.arrive $0xFFFF  }
0x3e: {  	_ =	shalt  }

// kernel: kernel.9.cloned.1.call-start
scs
__scs_entry_jumppad:
0x0: {  	(pc) =	sbr.rel $0x88, $3  }
0x1: {  	(tag) =	ssettag $0x0;
	lr =	simm.s32 $0x1  }
0x2: {  	[smem:$0x3F9D] =	sst lr;
	_ =	strace $0xD0000000  }
0x3: {  	_ = 	snop  }
0x4: {  	_ = 	snop  }
0x5: {  	_ = 	snop  }
0x6: {  	_ = 	snop  }
0x7: {  	_ = 	snop  }
__scs_overlays_trampoline_lowered:
0x8: {  	[smem:$0x3FAC] =	sst s0  }
0x9: {  	[smem:$0x3FAD] =	sst s1  }
0xa: {  	[smem:$0x3FAE] =	sst s2  }
0xb: {  	[smem:$0x3FAF] =	sst s3  }
0xc: {  	[smem:$0x3FB0] =	sst s4  }
0xd: {  	[smem:$0x3FB1] =	sst s5  }
0xe: {  	[smem:$0x3FB2] =	sst s6  }
0xf: {  	[smem:$0x3FB3] =	sst s7  }
0x10: {  	[smem:$0x3FB4] =	sst s8  }
0x11: {  	[smem:$0x3FB5] =	sst s9;
	s0 =	simm.s32 @!p0 $0x0  }
0x12: {  	s1 =	sld [smem:$0x3F9B];
	s0 =	simm.s32 @p0 $0x1  }
0x13: {  	[smem:$0x3FB6] =	sst s0;
	s0 =	simm.s32 @!p1 $0x0  }
0x14: {  	s2 =	sld [smem:$0x3F9A];
	s0 =	simm.s32 @p1 $0x1  }
0x15: {  	[smem:$0x3FB7] =	sst s0;
	s0 =	simm.s32 @!p2 $0x0  }
0x16: {  	s3 =	sld [smem:$0x3FDB];
	s0 =	simm.s32 @p2 $0x1  }
0x17: {  	s4 =	simm.s32 $0x1BF5;
	[smem:$0x3FB9] =	sst s0  }
0x18: {  	s0 =	sld [smem:$0x3F9C];
	_ =	swait.ge [sflag:s4], $0x0  }
0x19: {  	s7 =	sld [smem:$0x3F9D]  }
0x1a: {  	s8 =	sadd.s32 $0xFFFFE003, lr  }
0x1b: {  	s9 =	sadd.s32 $0xFFFFFEF7, lr;
	s5 =	simm.s32 $0xFFFFFFFF;
	p2 =	slt.u32 s8, $0xFFFFF086  }
0x1c: {  	p1 =	slt.u32 s9, $0xF7A;
	s5 =	simm.s32 @!p2 $0x0  }
0x1d: {  	s5 =	simm.s32 @p1 $0x1;
	p0 =	seq.s32 s7, s2  }
0x1e: {  	s7 =	smul.u32 @!p0 $0xF7A, s2;
	p2 =	seq.s32 @!p0 s5, $0x0  }
0x1f: {  	s9 =	smul.u32 $0xF7A, s1;
	s8 =	simm.s32 @!p0 $0x1BF5;
	p2 =	por !p2, p0  }
0x20: {  	[sflag:s8] =	ssyncset.s32 @!p0 $0xFFFFF086;
	s6 =	sadd.s32 @!p0 s3, s7;
	s7 =	simm.s32 @!p0 $0x108  }
0x21: {  	s3 =	sadd.s32 s3, s9;
	s6 =	sadd.s32 @!p0 $0x88, s6;
	s7 =	simm.s32 @p2 $0x1082  }
0x22: {  	[simem:s7], [sflag:s8] =	dma.local @!p0 [hbm:s6], $0xF7A  }
0x23: {  	s9 =	sor.u32 $0xD0000000, s2;
	s6 =	simm.s32 $0x108;
	_ =	swait.ge @!p0 [sflag:s8], $0x0  }
0x24: {  	s3 =	sadd.s32 $0x88, s3;
	s6 =	simm.s32 @!p1 $0x1082;
	[sflag:s4] =	ssyncset.s32 $0xFFFFF086  }
0x25: {  	[simem:s6], [sflag:s4] =	dma.local [hbm:s3], $0xF7A  }
0x26: {  	[smem:$0x3F9D] =	sst s1;
	(tag) =	ssettag s2;
	_ =	strace s9  }
0x27: {  	s1 =	sld [smem:$0x3FAD]  }
0x28: {  	s2 =	sld [smem:$0x3FAE]  }
0x29: {  	s4 =	sld [smem:$0x3FB0]  }
0x2a: {  	p0 =	seq.s32 s5, $0x0;
	s5 =	sld [smem:$0x3FB1]  }
0x2b: {  	s6 =	sld [smem:$0x3FB2]  }
0x2c: {  	s7 =	sld [smem:$0x3FB3]  }
0x2d: {  	s3 =	simm.s32 $0x108;
	s8 =	sld [smem:$0x3FB4]  }
0x2e: {  	s3 =	simm.s32 @!p0 $0x1082;
	s9 =	sld [smem:$0x3FB5]  }
0x2f: {  	lr =	sadd.s32 s0, s3;
	s0 =	sld [smem:$0x3FAC]  }
0x30: {  	s3 =	sld [smem:$0x3FAF]  }
0x31: {  	[smem:$0x3FB8] =	sst s10  }
0x32: {  	s10 =	sld [smem:$0x3FB6];
	_ =	sdelay $0x3  }
0x33: {  	p0 =	seq.s32 s10, $0x1;
	s10 =	sld [smem:$0x3FB8];
	_ =	sdelay $0x3  }
0x34: {  	[smem:$0x3FB8] =	sst s10  }
0x35: {  	s10 =	sld [smem:$0x3FB7];
	_ =	sdelay $0x3  }
0x36: {  	p1 =	seq.s32 s10, $0x1;
	s10 =	sld [smem:$0x3FB8];
	_ =	sdelay $0x3  }
0x37: {  	[smem:$0x3FB8] =	sst s10  }
0x38: {  	s10 =	sld [smem:$0x3FB9]  }
0x39: {  	_ = 	snop;
	(pc) =	sbr.ind lr, $3  }
0x3a: {  	_ = 	snop  }
0x3b: {  	_ = 	snop  }
0x3c: {  	p2 =	seq.s32 s10, $0x1;
	s10 =	sld [smem:$0x3FB8]  }
0x3d: {  	_ =	shalt  }
0x3e: {  	_ =	shalt  }
0x3f: {  	_ =	shalt  }
0x40: {  	_ =	shalt  }
0x41: {  	_ =	shalt  }
0x42: {  	_ =	shalt  }
0x43: {  	_ =	shalt  }
0x44: {  	_ =	shalt  }
0x45: {  	_ =	shalt  }
0x46: {  	_ =	shalt  }
0x47: {  	_ =	shalt  }
0x48: {  	_ =	shalt  }
0x49: {  	_ =	shalt  }
0x4a: {  	_ =	shalt  }
0x4b: {  	_ =	shalt  }
0x4c: {  	_ =	shalt  }
0x4d: {  	_ =	shalt  }
0x4e: {  	_ =	shalt  }
0x4f: {  	_ =	shalt  }
0x50: {  	_ =	shalt  }
0x51: {  	_ =	shalt  }
0x52: {  	_ =	shalt  }
0x53: {  	_ =	shalt  }
0x54: {  	_ =	shalt  }
0x55: {  	_ =	shalt  }
0x56: {  	_ =	shalt  }
0x57: {  	_ =	shalt  }
0x58: {  	_ =	shalt  }
0x59: {  	_ =	shalt  }
0x5a: {  	_ =	shalt  }
0x5b: {  	_ =	shalt  }
0x5c: {  	_ =	shalt  }
0x5d: {  	_ =	shalt  }
0x5e: {  	_ =	shalt  }
0x5f: {  	_ =	shalt  }
0x60: {  	_ =	shalt  }
0x61: {  	_ =	shalt  }
0x62: {  	_ =	shalt  }
0x63: {  	_ =	shalt  }
0x64: {  	_ =	shalt  }
0x65: {  	_ =	shalt  }
0x66: {  	_ =	shalt  }
0x67: {  	_ =	shalt  }
0x68: {  	_ =	shalt  }
0x69: {  	_ =	shalt  }
0x6a: {  	_ =	shalt  }
0x6b: {  	_ =	shalt  }
0x6c: {  	_ =	shalt  }
0x6d: {  	_ =	shalt  }
0x6e: {  	_ =	shalt  }
0x6f: {  	_ =	shalt  }
0x70: {  	_ =	shalt  }
0x71: {  	_ =	shalt  }
0x72: {  	_ =	shalt  }
0x73: {  	_ =	shalt  }
0x74: {  	_ =	shalt  }
0x75: {  	_ =	shalt  }
0x76: {  	_ =	shalt  }
0x77: {  	_ =	shalt  }
0x78: {  	_ =	shalt  }
0x79: {  	_ =	shalt  }
0x7a: {  	_ =	shalt  }
0x7b: {  	_ =	shalt  }
0x7c: {  	_ =	shalt  }
0x7d: {  	_ =	shalt  }
0x7e: {  	_ =	shalt  }
0x7f: {  	_ =	shalt  }
0x80: {  	_ =	shalt  }
0x81: {  	_ =	shalt  }
0x82: {  	_ =	shalt  }
0x83: {  	_ =	shalt  }
0x84: {  	_ =	shalt  }
0x85: {  	_ =	shalt  }
0x86: {  	_ =	shalt  }
0x87: {  	_ =	shalt  }
.Lfunc_end0:
.L_simem_size_0:
called_computation.1_lowered:
.L_overlay_start_0:
0x88: {  	s2 =	sld [smem:$0x3FD9]  }
0x89: {  	s3 =	sld [smem:$0x3FFE];
	_ =	sdelay $0x1  }
0x8a: {  	s1 =	srdreg.scid  }
0x8b: {  	s0 =	sand.u32 $0x1, s1  }
0x8c: {  	s15 =	sshll.u32 s0, $0xA;
	s2 =	sadd.s32 s3, s2  }
0x8d: {  	s2 =	sadd.s32 s2, s15  }
0x8e: {  	[smem:$0x3FC4] =	sst s2  }
0x8f: {  	_ = 	snop  }
0x90: {  	s2 =	sld [smem:$0x3FD0];
	_ =	sdelay $0x2  }
0x91: {  	s16 =	simm.s32 $0xB;
	s4 =	simm.s32 $0x10  }
0x92: {  	[smem:s4], [sflag:s16] =	dma.local [hbm:s2], $0x1  }
0x93: {  	_ =	swait.eq [sflag:s16], $0x1  }
0x94: {  	[sflag:s16] =	ssyncset.done $0x0  }
0x95: {  	[sflag:s16] =	ssyncadd.s32 $0xFFFFFFFF  }
0x96: {  	s17 =	sld [smem:$0x15];
	(tm) =	ssettm $0x1  }
0x97: {  	s18 =	sld [smem:$0x3FFB];
	_ =	sdelay $0x3  }
0x98: {  	_ =	strace s18  }
0x99: {  	s2 =	sld [smem:$0x3FFC];
	_ =	sdelay $0x3  }
0x9a: {  	_ =	strace s2  }
0x9b: {  	s2 =	sld [smem:$0x3FFD];
	_ =	sdelay $0x3  }
0x9c: {  	_ =	strace s2  }
0x9d: {  	_ =	strace $0x8FFFFFFF  }
0x9e: {  	s19 =	sld [smem:$0x3FDB];
	_ =	sdelay $0x1  }
0x9f: {  	s20 =	simm.s32 $_scs_section_size  }
0xa0: {  	s5 =	simm.s32 $_size__tile_overlayer_lowered;
	s6 =	simm.s32 $_tile_overlayer_lowered  }
0xa1: {  	s7 =	simm.s32 $0x1BFF;
	s21 =	sshll.u32 s6, $0x1;
	s4 =	sadd.s32 s20, s19  }
0xa2: {  	s22 =	simm.s32 $0x0;
	s5 =	sshll.u32 s5, $0x1;
	s6 =	sadd.s32 s21, s4  }
0xa3: {  	[timem:s22], [sflag:s7] =	dma.local [hbm:s6], s5  }
0xa4: {  	_ =	swait.ge [sflag:s7], s5  }
0xa5: {  	s5 =	ssub.s32 $0x0, s5;
	[sflag:s7] =	ssyncset.done $0x0  }
0xa6: {  	[sflag:s7] =	ssyncadd.s32 s5;
	_ =	sdelay $0x1  }
0xa7: {  	s23 =	simm.s32 $0x1B8B  }
0xa8: {  	_ =	swait.ge [sflag:s23], $0x1  }
0xa9: {  	[sflag:s23] =	ssyncset.done $0x0  }
0xaa: {  	[sflag:s23] =	ssyncadd.s32 $0xFFFFFFFF  }
0xab: {  	s5 =	sld [smem:$0x0]  }
0xac: {  	s6 =	sand.u32 $0xFFFFFFFE, s1  }
0xad: {  	p0 =	sne.s32 s1, s6  }
0xae: {  	s6 =	sshll.u32 @p0 s6, $0xE  }
0xaf: {  	s6 =	sadd.s32 @p0 $0x11B8D, s6;
	s7 =	sshll.u32 @p0 s5, $0x11  }
0xb0: {  	s6 =	sor.u32 @p0 s7, s6  }
0xb1: {  	[sflag:s6] =	ssyncadd.remote.s32 @p0 $0x1;
	_ =	sdelay $0x1  }
0xb2: {  	s6 =	simm.s32 @p0 $0x1B8D  }
0xb3: {  	_ =	swait.eq @p0 [sflag:s6], $0x1  }
0xb4: {  	[sflag:s6] =	ssyncadd.s32 @p0 $0xFFFFFFFF  }
0xb5: {  	s7 =	sshll.u32 @!p0 s1, $0xE  }
0xb6: {  	s7 =	sor.u32 @!p0 $0x4000, s7;
	s6 =	simm.s32 @!p0 $0x1B8D  }
0xb7: {  	s5 =	sshll.u32 @!p0 s5, $0x11;
	s7 =	sadd.s32 @!p0 $0x11B8D, s7;
	_ =	swait.eq @!p0 [sflag:s6], $0x1  }
0xb8: {  	s5 =	sor.u32 @!p0 s5, s7;
	[sflag:s6] =	ssyncadd.s32 @!p0 $0xFFFFFFFF  }
0xb9: {  	s25 =	simm.s32 $0x1B8E;
	s24 =	sld [smem:$0x3FFE];
	[sflag:s5] =	ssyncadd.remote.s32 @!p0 $0x1  }
0xba: {  	s26 =	simm.s32 $execute0_lowered;
	[smem:$0x3FD2] =	sst s25  }
0xbb: {  	s6 =	sshll.u32 s26, $0x1;
	_ =	strace $0x80000049;
	[dreg:$0x1] =	wrdreg $0xFFFFFFFF  }
0xbc: {  	s28 =	simm.s32 $_size_execute0_lowered;
	s4 =	sadd.s32 s4, s6;
	[dreg:$0x0] =	wrdreg $0x0  }
0xbd: {  	s6 =	sshll.u32 s28, $0x1;
	[dreg:$0x2] =	wrdreg s4  }
0xbe: {  	[dreg:$0x3] =	wrdreg s6  }
0xbf: {  	[dreg:$0x4] =	wrdreg $0xC0  }
0xc0: {  	_ =	task [dreg:s22], $0x5FFFF  }
0xc1: {  	[dreg:$0x1] =	wrdreg $0xFFFFFFFF  }
0xc2: {  	[dreg:$0x0] =	wrdreg $0x60  }
0xc3: {  	[dreg:$0x2] =	wrdreg s17  }
0xc4: {  	[dreg:$0x3] =	wrdreg s24  }
0xc5: {  	[dreg:$0x4] =	wrdreg $0xA  }
0xc6: {  	_ =	task.clear_ibuf [dreg:s22], $0x5FFFF;
	_ =	strace $0x90000049  }
0xc7: {  	s29 =	simm.s32 $0xA;
	_ =	strace $0x8000004B  }
0xc8: {  	_ =	swait.ge [sflag:s29], $0x1  }
0xc9: {  	[sflag:s29] =	ssyncadd.s32 $0xFFFFFFFF  }
0xca: {  	_ =	strace $0x9000004B  }
0xcb: {  	_ =	sfence  }
0xcc: {  	s30 =	sld [smem:$0x0];
	_ =	sdelay $0x2  }
0xcd: {  	s31 =	sshll.u32 s1, $0xD;
	s1 =	sshrl.u32 s1, $0x2  }
0xce: {  	s4 =	sand.u32 $0x4000, s31;
	s1 =	sadd.s32 s1, s30  }
0xcf: {  	s0 =	sor.u32 s4, s0;
	s1 =	sshll.u32 s1, $0x11  }
0xd0: {  	s0 =	sor.u32 s1, s0  }
0xd1: {  	s0 =	sadd.s32 $0x8F2B, s0  }
0xd2: {  	[sflag:s0] =	ssyncadd.remote.s32 $0x1  }
0xd3: {  	_ =	sfence.sel $0xFFFF  }
0xd4: {  	[dreg:$0x0] =	wrdreg $0xFFFFFFFF;
	(pc) =	sbr.abs _section_cstart, $3  }
0xd5: {  	[dreg:$0x1] =	wrdreg $0xFFFFFFFF  }
0xd6: {  	_ =	task.clear_ibuf [dreg:s22], $0x2FFFF;
	_ =	strace $0x9FFFFFFF  }
0xd7: {  	(tm) =	ssettm $0x7FFFFFFF  }
tec
execute0_lowered:
.L_overlay_start_1:
0x0: {  	(tag) =	ssettag $0x1  }
0x1: {  	s1 =	srdreg.scid  }
0x2: {  	s3 =	rddreg [dreg:$0x0];
	s0 =	stileid.u32;
	s10 =	sand.u32 $0x1, s1  }
0x3: {  	s9 =	rddreg [dreg:$0x1];
	s4 =	sshll.u32 s0, $0xB;
	s5 =	sshll.u32 s10, $0xA  }
0x4: {  	s2 =	simm.s32 $0x0;
	s1 =	rddreg [dreg:$0x2];
	s11 =	sor.u32 s5, s4  }
0x5: {  	[smem:$0x7FF] =	sst s2;
	s4 =	sshrl.u32 s11, $0x3  }
0x6: {  	_ =	strace $0x8000004A;
	s4 =	sadd.s32 s3, s4;
	s3 =	simm.s32 $0x2  }
0x7: {  	[tilespmem:s2], [sflag:$0x2] =	stream.linear.gather [hbm4b:s4+s2], $0x400, $0x38;
	[tilespmem:$0x10400] =	vst v63  }
0x8: {  	_ =	swait.ge [sflag:s3], $0x400  }
0x9: {  	s6 =	simm.s32 $0x200;
	s7 =	simm.s32 $0x400;
	[sflag:s3] =	ssyncset.done $0x0  }
0xa: {  	s8 =	simm.s32 $0x1;
	s5 =	sadd.s32 $0x82800, s9;
	[sflag:s3] =	ssyncadd.s32 $0xFFFFFC00  }
0xb: {  	[tilespmem:s7], [sflag:$0x1] =	stream.indirect.gather [hbm4b:s5+s6], $0x80, s2, s6, $0xb8;
	[tilespmem:$0x10400] =	vst v63  }
0xc: {  	s11 =	sshll.u32 s11, $0x4;
	_ =	swait.ge [sflag:s8], $0x10000  }
0xd: {  	s11 =	sadd.s32 s11, s9;
	[sflag:s8] =	ssyncset.done $0x0  }
0xe: {  	s10 =	ssub.s32 $0x2, s10;
	s9 =	sadd.s32 $0x86C00, s11;
	[sflag:s8] =	ssyncadd.s32 $0xFFFF0000  }
0xf: {  	[hbm4b:s9+s2] =	stream.linear.scatter [tilespmem:s7], [sflag:$0x2], $0x10000, $0x38;
	[tilespmem:$0x10400] =	vst v63  }
0x10: {  	s12 =	sshrl.u32 s10, $0x1;
	_ =	swait.ge [sflag:s3], $0x10000  }
0x11: {  	s12 =	ssub.s32 s10, s12;
	[sflag:s3] =	ssyncset.done $0x0  }
0x12: {  	s31 =	smax.u32 s12, $0x1;
	[sflag:s3] =	ssyncadd.s32 $0xFFFF0000  }
0x13: {  	[tilespmem:s7], [sflag:$0x1] =	stream.indirect.gather [hbm4b:s5+s6], $0x80, s6, s6, $0xb8;
	[tilespmem:$0x10400] =	vst v63  }
0x14: {  	p0 =	sne.s32 s31, $0x1;
	_ =	swait.ge [sflag:s8], $0x10000  }
.Ltmp0:
0x15: {  	[sflag:s8] =	ssyncset.done $0x0;
	(pc) =	sbr.rel @!p0 .LBB2_2-.Ltmp0, $4  }
0x16: {  	s10 =	sadd.s32 $0x88C00, s11;
	[sflag:s8] =	ssyncadd.s32 $0xFFFF0000  }
0x17: {  	[hbm4b:s10+s2] =	stream.linear.scatter [tilespmem:s7], [sflag:$0x2], $0x10000, $0x38;
	[tilespmem:$0x10400] =	vst v63  }
0x18: {  	_ =	swait.ge [sflag:s3], $0x10000  }
0x19: {  	s11 =	sadd.s32 $0xFFFFFFFF, s31;
	[sflag:s3] =	ssyncset.done $0x0  }
.LBB2_1:
0x1a: {  	p0 =	sne.s32 s11, $0x1;
	s11 =	sadd.s32 $0xFFFFFFFF, s11;
	[sflag:s3] =	ssyncadd.s32 $0xFFFF0000  }
0x1b: {  	[tilespmem:s2], [sflag:$0x2] =	stream.linear.gather [hbm4b:s4+s2], $0x400, $0x38;
	[tilespmem:$0x10400] =	vst v63  }
0x1c: {  	_ =	swait.ge [sflag:s3], $0x400  }
0x1d: {  	[sflag:s3] =	ssyncset.done $0x0  }
0x1e: {  	[sflag:s3] =	ssyncadd.s32 $0xFFFFFC00  }
0x1f: {  	[tilespmem:s7], [sflag:$0x1] =	stream.indirect.gather [hbm4b:s5+s6], $0x80, s2, s6, $0xb8;
	[tilespmem:$0x10400] =	vst v63  }
0x20: {  	_ =	swait.ge [sflag:s8], $0x10000  }
0x21: {  	[sflag:s8] =	ssyncset.done $0x0  }
0x22: {  	[sflag:s8] =	ssyncadd.s32 $0xFFFF0000  }
0x23: {  	[hbm4b:s9+s2] =	stream.linear.scatter [tilespmem:s7], [sflag:$0x2], $0x10000, $0x38;
	[tilespmem:$0x10400] =	vst v63  }
0x24: {  	_ =	swait.ge [sflag:s3], $0x10000  }
0x25: {  	[sflag:s3] =	ssyncset.done $0x0  }
0x26: {  	[sflag:s3] =	ssyncadd.s32 $0xFFFF0000  }
0x27: {  	[tilespmem:s7], [sflag:$0x1] =	stream.indirect.gather [hbm4b:s5+s6], $0x80, s6, s6, $0xb8;
	[tilespmem:$0x10400] =	vst v63  }
0x28: {  	_ =	swait.ge [sflag:s8], $0x10000  }
.Ltmp1:
0x29: {  	[sflag:s8] =	ssyncset.done $0x0;
	(pc) =	sbr.rel @p0 .LBB2_1-.Ltmp1, $4  }
0x2a: {  	[sflag:s8] =	ssyncadd.s32 $0xFFFF0000  }
0x2b: {  	[hbm4b:s10+s2] =	stream.linear.scatter [tilespmem:s7], [sflag:$0x2], $0x10000, $0x38;
	[tilespmem:$0x10400] =	vst v63  }
0x2c: {  	_ =	swait.ge [sflag:s3], $0x10000  }
0x2d: {  	[sflag:s3] =	ssyncset.done $0x0  }
.LBB2_2:
0x2e: {  	[sflag:s3] =	ssyncadd.s32 $0xFFFF0000  }
0x2f: {  	_ =	sfence.sel $0x180000  }
0x30: {  	[bflag:$0x0] =	sbarrier.arrive $0xFFFF  }
0x31: {  	p0 =	sne.s32 s0, $0x0;
	_ =	strace $0x9000004A  }
0x32: {  	s0 =	sadd.s32 @!p0 $0x100000, s1;
	[bflag:$0x2] =	sbarrier.arrive $0xFFFF  }
0x33: {  	[sflag:s0] =	ssyncadd.tile.s32 @!p0 $0x1;
	_ =	shalt  }
.Lfunc_end2:
_tile_overlayer_lowered:
.L_overlay_start_2:
0x34: {  	(tag) =	ssettag $0x2  }
0x35: {  	s0 =	rddreg [dreg:$0x0];
	s2 =	stileid.u32  }
0x36: {  	s1 =	rddreg [dreg:$0x1];
	p0 =	sne.s32 s2, $0x0  }
0x37: {  	s3 =	rddreg [dreg:$0x2];
	[bflag:$0x3] =	sbarrier.arrive $0xFFFF;
	s2 =	simm.s32 @!p0 $0x1C02  }
0x38: {  	[timem:s3], [sflag:s2] =	dma.local @!p0 [hbm:s0], s1  }
0x39: {  	s0 =	simm.s32 @!p0 $0x2  }
0x3a: {  	_ =	swait.ge @!p0 [sflag:s0], s1  }
0x3b: {  	s1 =	ssub.s32 @!p0 $0x0, s1;
	[sflag:s0] =	ssyncset.done @!p0 $0x0  }
0x3c: {  	[sflag:s0] =	ssyncadd.s32 @!p0 s1  }
0x3d: {  	[bflag:$0x3] =	sbarrier.arrive $0xFFFF  }
0x3e: {  	_ =	shalt  }

</sc_bundles>
